<compile_context>
chip_gen: v7x
topology: tpu7x:2x2x1
jax: 0.10.2.dev20260603
libtpu: 0.0.44.dev20260713+nightly
codegen_flags: <defaults>
</compile_context>

<pallas_src>
import functools

import jax
import jax.numpy as jnp
import numpy as np
from jax import lax
from jax.experimental import pallas as pl
from jax.experimental.pallas import tpu as pltpu
from jax.experimental.pallas import tpu_sc as plsc

_B, _T, _K, _D = 16, 1024, 1024, 64
_NTOK = _B * _T
_TT = 1024
_X_TC = 13 * 1024

_NC, _NS, _L = 2, 16, 16
_NW = _NC * _NS
_SC_T0 = _X_TC
_SC_TOK = _NTOK - _X_TC
_TPW = _SC_TOK // _NW
_GRP = _TPW // _L

_K0 = np.uint32(0)
_K1 = np.uint32(42)
_K2 = np.uint32(0 ^ 42 ^ 0x1BD11BDA)
_ROT = ((13, 15, 26, 6), (17, 29, 16, 24))
_TINY = np.float32(np.finfo(np.float32).tiny)
_LN2 = np.float32(0.6931471805599453)


def _threefry_bits(x1_keyed):
    ks = (_K0, _K1, _K2)
    x1 = x1_keyed
    x0 = x1
    x1 = ((x1 << np.uint32(13)) | (x1 >> np.uint32(19))) ^ x0
    for r in _ROT[0][1:]:
        x0 = x0 + x1
        x1 = (x1 << np.uint32(r)) | (x1 >> np.uint32(32 - r))
        x1 = x1 ^ x0
    x0 = x0 + ks[1]
    x1 = x1 + np.uint32(ks[2] + np.uint32(1))
    for i in range(1, 5):
        for r in _ROT[i % 2]:
            x0 = x0 + x1
            x1 = (x1 << np.uint32(r)) | (x1 >> np.uint32(32 - r))
            x1 = x1 ^ x0
        x0 = x0 + ks[(i + 1) % 3]
        x1 = x1 + np.uint32(ks[(i + 2) % 3] + np.uint32(i + 1))
    return x0 ^ x1


def _bits_to_u(bits):
    fb = (bits >> np.uint32(9)) | np.uint32(0x3F800000)
    u01 = jax.lax.bitcast_convert_type(fb, jnp.float32) - jnp.float32(1.0)
    return u01 + _TINY



def _tc_kernel(logits_ref, z_ref, cent_ref, out_ref):
    t = pl.program_id(0)

    row = jax.lax.broadcasted_iota(jnp.uint32, (_TT, _K), 0)
    col = jax.lax.broadcasted_iota(jnp.int32, (_TT, _K), 1)
    base = (t * (_TT * _K)).astype(jnp.uint32) + _K1
    x1 = (row << np.uint32(10)) + col.astype(jnp.uint32) + base

    u = _bits_to_u(_threefry_bits(x1))
    g = -jnp.log(-jnp.log(u))
    s = logits_ref[...] + g

    m = jnp.max(s, axis=1, keepdims=True)
    idx = jnp.min(jnp.where(s == m, col, _K), axis=1)

    one_hot = (col == idx[:, None]).astype(jnp.float32)
    q = jnp.dot(one_hot, cent_ref[...], preferred_element_type=jnp.float32)
    diff = z_ref[...] - q
    part = jnp.sum(diff * diff)

    @pl.when(t == 0)
    def _():
        out_ref[0, 0] = jnp.float32(0.0)

    out_ref[0, 0] += part


def _tc_partial(z2, logits2, centroids):
    out = pl.pallas_call(
        _tc_kernel,
        grid=(_X_TC // _TT,),
        in_specs=[
            pl.BlockSpec((_TT, _K), lambda t: (t, 0)),
            pl.BlockSpec((_TT, _D), lambda t: (t, 0)),
            pl.BlockSpec((_K, _D), lambda t: (0, 0)),
        ],
        out_specs=pl.BlockSpec(memory_space=pltpu.SMEM),
        out_shape=jax.ShapeDtypeStruct((1, 1), jnp.float32),
    )(logits2, z2, centroids)
    return out[0, 0]



def _log_sc(x):
    ix = jax.lax.bitcast_convert_type(x, jnp.int32)
    e = (ix >> 23) - 127
    mb = (ix & np.int32(0x007FFFFF)) | np.int32(0x3F800000)
    big = mb >= np.int32(0x3FB504F3)
    mb = jnp.where(big, mb - np.int32(0x00800000), mb)
    e = jnp.where(big, e + 1, e)
    m = jax.lax.bitcast_convert_type(mb, jnp.float32)
    s = (m - 1.0) / (m + 1.0)
    w = s * s
    p = np.float32(2.0 / 9.0)
    p = p * w + np.float32(2.0 / 7.0)
    p = p * w + np.float32(2.0 / 5.0)
    p = p * w + np.float32(2.0 / 3.0)
    p = p * w + np.float32(2.0)
    return e.astype(jnp.float32) * _LN2 + s * p


def _sc_loss(logits2, z2, centroids):
    mesh = plsc.VectorSubcoreMesh(core_axis_name="c", subcore_axis_name="s")

    @functools.partial(
        pl.kernel,
        mesh=mesh,
        out_type=jax.ShapeDtypeStruct((_NW, _L), jnp.float32),
        scratch_types=[
            pltpu.VMEM((_L, _K), jnp.float32),
            pltpu.VMEM((_L, _D), jnp.float32),
            pltpu.VMEM((_K // 2, 2 * _D), jnp.float32),
            pltpu.VMEM((_L,), jnp.float32),
            pltpu.SemaphoreType.DMA,
        ],
        compiler_params=pltpu.CompilerParams(needs_layout_passes=False),
    )
    def k(logits_hbm, z_hbm, cent_hbm, out_hbm, lg_v, z_v, cent_v, out_v, sem):
        wid = lax.axis_index("s") * _NC + lax.axis_index("c")
        lane = jax.lax.iota(jnp.int32, _L)
        lane_off = lane.astype(jnp.uint32) * np.uint32(_K)
        pos_inf = jnp.full((_L,), np.inf, dtype=jnp.float32)
        zeros_i = jnp.zeros((_L,), jnp.int32)

        pltpu.sync_copy(cent_hbm, cent_v)

        def gbody(grp, acc):
            t0 = _SC_T0 + wid * _TPW + grp * _L
            pltpu.sync_copy(logits_hbm.at[pl.ds(t0, _L), :], lg_v)
            pltpu.sync_copy(z_hbm.at[pl.ds(t0, _L), :], z_v)

            kbase = t0.astype(jnp.uint32) * np.uint32(_K) + _K1

            def body(kk, carry):
                best, bestk = carry
                ksp = jnp.full((_L,), kk, jnp.int32)
                x1 = lane_off + (kbase + kk.astype(jnp.uint32))
                u = _bits_to_u(_threefry_bits(x1))
                e = -_log_sc(u)
                lg = plsc.load_gather(lg_v, [lane, ksp])
                sp = e * jnp.exp(-lg)
                upd = sp < best
                best = jnp.where(upd, sp, best)
                bestk = jnp.where(upd, ksp, bestk)
                return best, bestk

            best, bestk = lax.fori_loop(0, _K, body, (pos_inf, zeros_i),
                                        unroll=4)

            crow = bestk >> 1
            cbase = (bestk & 1) << 6

            def dbody(d, a):
                dcol = jnp.full((_L,), d, jnp.int32)
                zc = plsc.load_gather(z_v, [lane, dcol])
                cc = plsc.load_gather(cent_v, [crow, cbase + dcol])
                dz = zc - cc
                return a + dz * dz

            return lax.fori_loop(0, _D, dbody, acc)

        acc = lax.fori_loop(0, _GRP, gbody, jnp.zeros((_L,), jnp.float32))
        out_v[...] = acc
        pltpu.sync_copy(out_v, out_hbm.at[wid])

    return k(logits2, z2, centroids.reshape(_K // 2, 2 * _D))


@jax.jit
def _run(z, cluster_logits, centroids):
    logits2 = cluster_logits.reshape(_NTOK, _K)
    z2 = z.reshape(_NTOK, _D)
    sc_parts = _sc_loss(logits2, z2, centroids)
    tc_part = _tc_partial(z2, logits2, centroids)
    return (tc_part + jnp.sum(sc_parts)) / jnp.float32(_B * _T * _D)


def kernel(z, cluster_logits, temperature, centroids):
    del temperature
    return _run(z, cluster_logits, centroids)

# --- scband reference (transcript-rebuilt; emitter-appended) ---
"""Pipeline reference for scband-kmeans-loss-9088150798766 (READ-ONLY COPY).

The authoritative reference and input builder live on the scoring server;
editing this copy changes nothing except your own understanding.
"""

import jax, jax.numpy as jnp
import numpy as np


def gumbel_softmax_hard(logits, tau, key):
    # Faithful to torch.nn.functional.gumbel_softmax(..., hard=True):
    # sample Gumbel noise, soft-assign via softmax((logits+g)/tau),
    # then straight-through hard one-hot.
    g = jax.random.gumbel(key, logits.shape, dtype=logits.dtype)
    y_soft = jax.nn.softmax((logits + g) / tau, axis=-1)
    idx = jnp.argmax(y_soft, axis=-1)
    y_hard = jax.nn.one_hot(idx, logits.shape[-1], dtype=y_soft.dtype)
    # hard output with soft gradients (straight-through estimator)
    return y_soft + jax.lax.stop_gradient(y_hard - y_soft)


def setup_inputs(seed: int = 0) -> dict:
    key = jax.random.key(seed)
    k1, k2, k3 = jax.random.split(key, 3)
    B, T, K, D = 16, 1024, 1024, 64
    z = jax.random.normal(k1, (B, T, D), dtype=jnp.float32)
    cluster_logits = jax.random.normal(k2, (B, T, K), dtype=jnp.float32)
    # learned parameter from __init__(centroids)
    centroids = jax.random.normal(k3, (K, D), dtype=jnp.float32)
    temperature = 1
    return {"z": z, "cluster_logits": cluster_logits, "temperature": temperature, "centroids": centroids}


def reference(z, cluster_logits, temperature, centroids):
    one_hot = gumbel_softmax_hard(cluster_logits, jnp.asarray(temperature, cluster_logits.dtype), jax.random.key(42))
    quantized = jnp.matmul(one_hot, centroids)
    loss = jnp.mean(jnp.square(z - quantized))
    return loss

if __name__ == "__main__":
    import jax
    _d = setup_inputs()
    print(jax.jit(kernel)(*tuple(_d.values())))

</pallas_src>

<mosaic_0001>
#map = affine_map<(d0, d1) -> (0, 0)>
module attributes {stable_mosaic.version = 14 : i64} {
  func.func @k(%arg0: i32, %arg1: i32, %arg2: memref<16384x1024xf32, #tpu.memory_space<hbm>>, %arg3: memref<16384x64xf32, #tpu.memory_space<hbm>>, %arg4: memref<512x128xf32, #tpu.memory_space<hbm>>, %arg5: memref<32x16xf32, #tpu.memory_space<hbm>>, %arg6: memref<16x1024xf32, #tpu.memory_space<vmem>>, %arg7: memref<16x64xf32, #tpu.memory_space<vmem>>, %arg8: memref<512x128xf32, #tpu.memory_space<vmem>>, %arg9: memref<16xf32, #tpu.memory_space<vmem>>, %arg10: memref<!tpu.dma_semaphore, #tpu.memory_space<semaphore_mem>>) attributes {dimension_semantics = [#tpu.dimension_semantics<core_parallel>, #tpu.dimension_semantics<subcore_parallel>], iteration_bounds = array<i64: 2, 16>, scalar_prefetch = 0 : i64, scratch_operands = 5 : i64, tpu.core_type = #tpu.core_type<sc_vector_subcore>, window_params = [{transform_indices = #map}, {transform_indices = #map}, {transform_indices = #map}, {transform_indices = #map}]} {
    %mul3A = arith.constant 2 : i32
    %mul3A_0 = arith.muli %arg1, %mul3A : i32
    %add3A = arith.addi %mul3A_0, %arg0 : i32
    %iota3A = tpu.iota {dimensions = array<i32: 0>} : vector<16xi32>
    %mul3A_1 = arith.constant 1024 : i32
    %mul3A_2 = vector.broadcast %mul3A_1 : i32 to vector<16xi32>
    %mul3A_3 = arith.muli %iota3A, %mul3A_2 : vector<16xi32>
    %broadcast_in_dim3A = arith.constant 0x7F800000 : f32
    %broadcast_in_dim3A_4 = vector.broadcast %broadcast_in_dim3A : f32 to vector<16xf32>
    %broadcast_in_dim3A_5 = arith.constant 0 : i32
    %broadcast_in_dim3A_6 = vector.broadcast %broadcast_in_dim3A_5 : i32 to vector<16xi32>
    "tpu.region"() ({
      %run_scoped3A = tpu.sem_alloc : memref<!tpu.dma_semaphore, #tpu.memory_space<semaphore_mem>>
      tpu.enqueue_dma source(%arg4 : memref<512x128xf32, #tpu.memory_space<hbm>>) target(%arg8 : memref<512x128xf32, #tpu.memory_space<vmem>>) target_semaphore(%run_scoped3A : memref<!tpu.dma_semaphore, #tpu.memory_space<semaphore_mem>>)
      tpu.wait_dma2 semaphore(%run_scoped3A : memref<!tpu.dma_semaphore, #tpu.memory_space<semaphore_mem>>) src(%arg4 : memref<512x128xf32, #tpu.memory_space<hbm>>) dst(%arg8 : memref<512x128xf32, #tpu.memory_space<vmem>>)
      tpu.yield
    }) : () -> ()
    %broadcast_in_dim3A_7 = arith.constant 0.000000e+00 : f32
    %broadcast_in_dim3A_8 = vector.broadcast %broadcast_in_dim3A_7 : f32 to vector<16xf32>
    %scan3A = arith.constant 0 : i32
    %scan3A_9 = arith.constant 6 : i32
    %scan3A_10 = arith.addi %scan3A, %scan3A_9 : i32
    %scan3A_11 = arith.constant 1 : i32
    %scan3A_12 = scf.for %scan3A_15 = %scan3A to %scan3A_10 step %scan3A_11 iter_args(%scan3A_16 = %broadcast_in_dim3A_8) -> (vector<16xf32>)  : i32 {
      %mul3A_17 = arith.constant 96 : i32
      %mul3A_18 = arith.muli %add3A, %mul3A_17 : i32
      %add3A_19 = arith.constant 13312 : i32
      %add3A_20 = arith.addi %add3A_19, %mul3A_18 : i32
      %mul3A_21 = arith.constant 16 : i32
      %mul3A_22 = arith.muli %scan3A_15, %mul3A_21 : i32
      %add3A_23 = arith.addi %add3A_20, %mul3A_22 : i32
      "tpu.region"() ({
        %run_scoped3A = tpu.sem_alloc : memref<!tpu.dma_semaphore, #tpu.memory_space<semaphore_mem>>
        %dma_start3A = arith.constant 0 : i32
        %dma_start3A_46 = tpu.memref_slice %arg2[%add3A_23, %dma_start3A] : memref<16384x1024xf32, #tpu.memory_space<hbm>> -> memref<16x1024xf32, #tpu.memory_space<hbm>>
        %dma_start3A_47 = arith.constant 0 : i32
        %dma_start3A_48 = tpu.memref_slice %arg2[%add3A_23, %dma_start3A_47] : memref<16384x1024xf32, #tpu.memory_space<hbm>> -> memref<16x1024xf32, #tpu.memory_space<hbm>>
        tpu.enqueue_dma source(%dma_start3A_48 : memref<16x1024xf32, #tpu.memory_space<hbm>>) target(%arg6 : memref<16x1024xf32, #tpu.memory_space<vmem>>) target_semaphore(%run_scoped3A : memref<!tpu.dma_semaphore, #tpu.memory_space<semaphore_mem>>)
        %dma_wait3A = arith.constant 0 : i32
        %dma_wait3A_49 = tpu.memref_slice %arg2[%add3A_23, %dma_wait3A] : memref<16384x1024xf32, #tpu.memory_space<hbm>> -> memref<16x1024xf32, #tpu.memory_space<hbm>>
        %dma_wait3A_50 = arith.constant 0 : i32
        %dma_wait3A_51 = tpu.memref_slice %arg2[%add3A_23, %dma_wait3A_50] : memref<16384x1024xf32, #tpu.memory_space<hbm>> -> memref<16x1024xf32, #tpu.memory_space<hbm>>
        tpu.wait_dma2 semaphore(%run_scoped3A : memref<!tpu.dma_semaphore, #tpu.memory_space<semaphore_mem>>) src(%dma_wait3A_51 : memref<16x1024xf32, #tpu.memory_space<hbm>>) dst(%arg6 : memref<16x1024xf32, #tpu.memory_space<vmem>>)
        tpu.yield
      }) : () -> ()
      "tpu.region"() ({
        %run_scoped3A = tpu.sem_alloc : memref<!tpu.dma_semaphore, #tpu.memory_space<semaphore_mem>>
        %dma_start3A = arith.constant 0 : i32
        %dma_start3A_46 = tpu.memref_slice %arg3[%add3A_23, %dma_start3A] : memref<16384x64xf32, #tpu.memory_space<hbm>> -> memref<16x64xf32, #tpu.memory_space<hbm>>
        %dma_start3A_47 = arith.constant 0 : i32
        %dma_start3A_48 = tpu.memref_slice %arg3[%add3A_23, %dma_start3A_47] : memref<16384x64xf32, #tpu.memory_space<hbm>> -> memref<16x64xf32, #tpu.memory_space<hbm>>
        tpu.enqueue_dma source(%dma_start3A_48 : memref<16x64xf32, #tpu.memory_space<hbm>>) target(%arg7 : memref<16x64xf32, #tpu.memory_space<vmem>>) target_semaphore(%run_scoped3A : memref<!tpu.dma_semaphore, #tpu.memory_space<semaphore_mem>>)
        %dma_wait3A = arith.constant 0 : i32
        %dma_wait3A_49 = tpu.memref_slice %arg3[%add3A_23, %dma_wait3A] : memref<16384x64xf32, #tpu.memory_space<hbm>> -> memref<16x64xf32, #tpu.memory_space<hbm>>
        %dma_wait3A_50 = arith.constant 0 : i32
        %dma_wait3A_51 = tpu.memref_slice %arg3[%add3A_23, %dma_wait3A_50] : memref<16384x64xf32, #tpu.memory_space<hbm>> -> memref<16x64xf32, #tpu.memory_space<hbm>>
        tpu.wait_dma2 semaphore(%run_scoped3A : memref<!tpu.dma_semaphore, #tpu.memory_space<semaphore_mem>>) src(%dma_wait3A_51 : memref<16x64xf32, #tpu.memory_space<hbm>>) dst(%arg7 : memref<16x64xf32, #tpu.memory_space<vmem>>)
        tpu.yield
      }) : () -> ()
      %mul3A_24 = arith.constant 1024 : i32
      %mul3A_25 = arith.muli %add3A_23, %mul3A_24 : i32
      %add3A_26 = arith.constant 42 : i32
      %add3A_27 = arith.addi %mul3A_25, %add3A_26 : i32
      %scan3A_28 = arith.constant 0 : i32
      %scan3A_29 = arith.constant 1024 : i32
      %scan3A_30 = arith.addi %scan3A_28, %scan3A_29 : i32
      %scan3A_31 = arith.constant 4 : i32
      %scan3A_32:2 = scf.for %scan3A_46 = %scan3A_28 to %scan3A_30 step %scan3A_31 iter_args(%scan3A_47 = %broadcast_in_dim3A_4, %scan3A_48 = %broadcast_in_dim3A_6) -> (vector<16xf32>, vector<16xi32>)  : i32 {
        %broadcast_in_dim3A_49 = vector.broadcast %scan3A_46 : i32 to vector<16xi32>
        %add3A_50 = arith.addi %add3A_27, %scan3A_46 : i32
        %add3A_51 = vector.broadcast %add3A_50 : i32 to vector<16xi32>
        %add3A_52 = arith.addi %mul3A_3, %add3A_51 : vector<16xi32>
        %shift_left3A_53 = arith.constant 13 : i32
        %shift_left3A_54 = vector.broadcast %shift_left3A_53 : i32 to vector<16xi32>
        %shift_left3A_55 = arith.shli %add3A_52, %shift_left3A_54 : vector<16xi32>
        %shift_right_logical3A = arith.constant 19 : i32
        %shift_right_logical3A_56 = vector.broadcast %shift_right_logical3A : i32 to vector<16xi32>
        %shift_right_logical3A_57 = arith.shrui %add3A_52, %shift_right_logical3A_56 : vector<16xi32>
        %or3A = arith.ori %shift_left3A_55, %shift_right_logical3A_57 : vector<16xi32>
        %xor3A = arith.xori %or3A, %add3A_52 : vector<16xi32>
        %add3A_58 = arith.addi %add3A_52, %xor3A : vector<16xi32>
        %shift_left3A_59 = arith.constant 15 : i32
        %shift_left3A_60 = vector.broadcast %shift_left3A_59 : i32 to vector<16xi32>
        %shift_left3A_61 = arith.shli %xor3A, %shift_left3A_60 : vector<16xi32>
        %shift_right_logical3A_62 = arith.constant 17 : i32
        %shift_right_logical3A_63 = vector.broadcast %shift_right_logical3A_62 : i32 to vector<16xi32>
        %shift_right_logical3A_64 = arith.shrui %xor3A, %shift_right_logical3A_63 : vector<16xi32>
        %or3A_65 = arith.ori %shift_left3A_61, %shift_right_logical3A_64 : vector<16xi32>
        %xor3A_66 = arith.xori %or3A_65, %add3A_58 : vector<16xi32>
        %add3A_67 = arith.addi %add3A_58, %xor3A_66 : vector<16xi32>
        %shift_left3A_68 = arith.constant 26 : i32
        %shift_left3A_69 = vector.broadcast %shift_left3A_68 : i32 to vector<16xi32>
        %shift_left3A_70 = arith.shli %xor3A_66, %shift_left3A_69 : vector<16xi32>
        %shift_right_logical3A_71 = arith.constant 6 : i32
        %shift_right_logical3A_72 = vector.broadcast %shift_right_logical3A_71 : i32 to vector<16xi32>
        %shift_right_logical3A_73 = arith.shrui %xor3A_66, %shift_right_logical3A_72 : vector<16xi32>
        %or3A_74 = arith.ori %shift_left3A_70, %shift_right_logical3A_73 : vector<16xi32>
        %xor3A_75 = arith.xori %or3A_74, %add3A_67 : vector<16xi32>
        %add3A_76 = arith.addi %add3A_67, %xor3A_75 : vector<16xi32>
        %shift_left3A_77 = arith.constant 6 : i32
        %shift_left3A_78 = vector.broadcast %shift_left3A_77 : i32 to vector<16xi32>
        %shift_left3A_79 = arith.shli %xor3A_75, %shift_left3A_78 : vector<16xi32>
        %shift_right_logical3A_80 = arith.constant 26 : i32
        %shift_right_logical3A_81 = vector.broadcast %shift_right_logical3A_80 : i32 to vector<16xi32>
        %shift_right_logical3A_82 = arith.shrui %xor3A_75, %shift_right_logical3A_81 : vector<16xi32>
        %or3A_83 = arith.ori %shift_left3A_79, %shift_right_logical3A_82 : vector<16xi32>
        %xor3A_84 = arith.xori %or3A_83, %add3A_76 : vector<16xi32>
        %add3A_85 = arith.constant 42 : i32
        %add3A_86 = vector.broadcast %add3A_85 : i32 to vector<16xi32>
        %add3A_87 = arith.addi %add3A_76, %add3A_86 : vector<16xi32>
        %add3A_88 = arith.constant 466689009 : i32
        %add3A_89 = vector.broadcast %add3A_88 : i32 to vector<16xi32>
        %add3A_90 = arith.addi %xor3A_84, %add3A_89 : vector<16xi32>
        %add3A_91 = arith.addi %add3A_87, %add3A_90 : vector<16xi32>
        %shift_left3A_92 = arith.constant 17 : i32
        %shift_left3A_93 = vector.broadcast %shift_left3A_92 : i32 to vector<16xi32>
        %shift_left3A_94 = arith.shli %add3A_90, %shift_left3A_93 : vector<16xi32>
        %shift_right_logical3A_95 = arith.constant 15 : i32
        %shift_right_logical3A_96 = vector.broadcast %shift_right_logical3A_95 : i32 to vector<16xi32>
        %shift_right_logical3A_97 = arith.shrui %add3A_90, %shift_right_logical3A_96 : vector<16xi32>
        %or3A_98 = arith.ori %shift_left3A_94, %shift_right_logical3A_97 : vector<16xi32>
        %xor3A_99 = arith.xori %or3A_98, %add3A_91 : vector<16xi32>
        %add3A_100 = arith.addi %add3A_91, %xor3A_99 : vector<16xi32>
        %shift_left3A_101 = arith.constant 29 : i32
        %shift_left3A_102 = vector.broadcast %shift_left3A_101 : i32 to vector<16xi32>
        %shift_left3A_103 = arith.shli %xor3A_99, %shift_left3A_102 : vector<16xi32>
        %shift_right_logical3A_104 = arith.constant 3 : i32
        %shift_right_logical3A_105 = vector.broadcast %shift_right_logical3A_104 : i32 to vector<16xi32>
        %shift_right_logical3A_106 = arith.shrui %xor3A_99, %shift_right_logical3A_105 : vector<16xi32>
        %or3A_107 = arith.ori %shift_left3A_103, %shift_right_logical3A_106 : vector<16xi32>
        %xor3A_108 = arith.xori %or3A_107, %add3A_100 : vector<16xi32>
        %add3A_109 = arith.addi %add3A_100, %xor3A_108 : vector<16xi32>
        %shift_left3A_110 = arith.constant 16 : i32
        %shift_left3A_111 = vector.broadcast %shift_left3A_110 : i32 to vector<16xi32>
        %shift_left3A_112 = arith.shli %xor3A_108, %shift_left3A_111 : vector<16xi32>
        %shift_right_logical3A_113 = arith.constant 16 : i32
        %shift_right_logical3A_114 = vector.broadcast %shift_right_logical3A_113 : i32 to vector<16xi32>
        %shift_right_logical3A_115 = arith.shrui %xor3A_108, %shift_right_logical3A_114 : vector<16xi32>
        %or3A_116 = arith.ori %shift_left3A_112, %shift_right_logical3A_115 : vector<16xi32>
        %xor3A_117 = arith.xori %or3A_116, %add3A_109 : vector<16xi32>
        %add3A_118 = arith.addi %add3A_109, %xor3A_117 : vector<16xi32>
        %shift_left3A_119 = arith.constant 24 : i32
        %shift_left3A_120 = vector.broadcast %shift_left3A_119 : i32 to vector<16xi32>
        %shift_left3A_121 = arith.shli %xor3A_117, %shift_left3A_120 : vector<16xi32>
        %shift_right_logical3A_122 = arith.constant 8 : i32
        %shift_right_logical3A_123 = vector.broadcast %shift_right_logical3A_122 : i32 to vector<16xi32>
        %shift_right_logical3A_124 = arith.shrui %xor3A_117, %shift_right_logical3A_123 : vector<16xi32>
        %or3A_125 = arith.ori %shift_left3A_121, %shift_right_logical3A_124 : vector<16xi32>
        %xor3A_126 = arith.xori %or3A_125, %add3A_118 : vector<16xi32>
        %add3A_127 = arith.constant 466689008 : i32
        %add3A_128 = vector.broadcast %add3A_127 : i32 to vector<16xi32>
        %add3A_129 = arith.addi %add3A_118, %add3A_128 : vector<16xi32>
        %add3A_130 = arith.constant 2 : i32
        %add3A_131 = vector.broadcast %add3A_130 : i32 to vector<16xi32>
        %add3A_132 = arith.addi %xor3A_126, %add3A_131 : vector<16xi32>
        %add3A_133 = arith.addi %add3A_129, %add3A_132 : vector<16xi32>
        %shift_left3A_134 = arith.constant 13 : i32
        %shift_left3A_135 = vector.broadcast %shift_left3A_134 : i32 to vector<16xi32>
        %shift_left3A_136 = arith.shli %add3A_132, %shift_left3A_135 : vector<16xi32>
        %shift_right_logical3A_137 = arith.constant 19 : i32
        %shift_right_logical3A_138 = vector.broadcast %shift_right_logical3A_137 : i32 to vector<16xi32>
        %shift_right_logical3A_139 = arith.shrui %add3A_132, %shift_right_logical3A_138 : vector<16xi32>
        %or3A_140 = arith.ori %shift_left3A_136, %shift_right_logical3A_139 : vector<16xi32>
        %xor3A_141 = arith.xori %or3A_140, %add3A_133 : vector<16xi32>
        %add3A_142 = arith.addi %add3A_133, %xor3A_141 : vector<16xi32>
        %shift_left3A_143 = arith.constant 15 : i32
        %shift_left3A_144 = vector.broadcast %shift_left3A_143 : i32 to vector<16xi32>
        %shift_left3A_145 = arith.shli %xor3A_141, %shift_left3A_144 : vector<16xi32>
        %shift_right_logical3A_146 = arith.constant 17 : i32
        %shift_right_logical3A_147 = vector.broadcast %shift_right_logical3A_146 : i32 to vector<16xi32>
        %shift_right_logical3A_148 = arith.shrui %xor3A_141, %shift_right_logical3A_147 : vector<16xi32>
        %or3A_149 = arith.ori %shift_left3A_145, %shift_right_logical3A_148 : vector<16xi32>
        %xor3A_150 = arith.xori %or3A_149, %add3A_142 : vector<16xi32>
        %add3A_151 = arith.addi %add3A_142, %xor3A_150 : vector<16xi32>
        %shift_left3A_152 = arith.constant 26 : i32
        %shift_left3A_153 = vector.broadcast %shift_left3A_152 : i32 to vector<16xi32>
        %shift_left3A_154 = arith.shli %xor3A_150, %shift_left3A_153 : vector<16xi32>
        %shift_right_logical3A_155 = arith.constant 6 : i32
        %shift_right_logical3A_156 = vector.broadcast %shift_right_logical3A_155 : i32 to vector<16xi32>
        %shift_right_logical3A_157 = arith.shrui %xor3A_150, %shift_right_logical3A_156 : vector<16xi32>
        %or3A_158 = arith.ori %shift_left3A_154, %shift_right_logical3A_157 : vector<16xi32>
        %xor3A_159 = arith.xori %or3A_158, %add3A_151 : vector<16xi32>
        %add3A_160 = arith.addi %add3A_151, %xor3A_159 : vector<16xi32>
        %shift_left3A_161 = arith.constant 6 : i32
        %shift_left3A_162 = vector.broadcast %shift_left3A_161 : i32 to vector<16xi32>
        %shift_left3A_163 = arith.shli %xor3A_159, %shift_left3A_162 : vector<16xi32>
        %shift_right_logical3A_164 = arith.constant 26 : i32
        %shift_right_logical3A_165 = vector.broadcast %shift_right_logical3A_164 : i32 to vector<16xi32>
        %shift_right_logical3A_166 = arith.shrui %xor3A_159, %shift_right_logical3A_165 : vector<16xi32>
        %or3A_167 = arith.ori %shift_left3A_163, %shift_right_logical3A_166 : vector<16xi32>
        %xor3A_168 = arith.xori %or3A_167, %add3A_160 : vector<16xi32>
        %add3A_169 = arith.constant 0 : i32
        %add3A_170 = vector.broadcast %add3A_169 : i32 to vector<16xi32>
        %add3A_171 = arith.addi %add3A_160, %add3A_170 : vector<16xi32>
        %add3A_172 = arith.constant 45 : i32
        %add3A_173 = vector.broadcast %add3A_172 : i32 to vector<16xi32>
        %add3A_174 = arith.addi %xor3A_168, %add3A_173 : vector<16xi32>
        %add3A_175 = arith.addi %add3A_171, %add3A_174 : vector<16xi32>
        %shift_left3A_176 = arith.constant 17 : i32
        %shift_left3A_177 = vector.broadcast %shift_left3A_176 : i32 to vector<16xi32>
        %shift_left3A_178 = arith.shli %add3A_174, %shift_left3A_177 : vector<16xi32>
        %shift_right_logical3A_179 = arith.constant 15 : i32
        %shift_right_logical3A_180 = vector.broadcast %shift_right_logical3A_179 : i32 to vector<16xi32>
        %shift_right_logical3A_181 = arith.shrui %add3A_174, %shift_right_logical3A_180 : vector<16xi32>
        %or3A_182 = arith.ori %shift_left3A_178, %shift_right_logical3A_181 : vector<16xi32>
        %xor3A_183 = arith.xori %or3A_182, %add3A_175 : vector<16xi32>
        %add3A_184 = arith.addi %add3A_175, %xor3A_183 : vector<16xi32>
        %shift_left3A_185 = arith.constant 29 : i32
        %shift_left3A_186 = vector.broadcast %shift_left3A_185 : i32 to vector<16xi32>
        %shift_left3A_187 = arith.shli %xor3A_183, %shift_left3A_186 : vector<16xi32>
        %shift_right_logical3A_188 = arith.constant 3 : i32
        %shift_right_logical3A_189 = vector.broadcast %shift_right_logical3A_188 : i32 to vector<16xi32>
        %shift_right_logical3A_190 = arith.shrui %xor3A_183, %shift_right_logical3A_189 : vector<16xi32>
        %or3A_191 = arith.ori %shift_left3A_187, %shift_right_logical3A_190 : vector<16xi32>
        %xor3A_192 = arith.xori %or3A_191, %add3A_184 : vector<16xi32>
        %add3A_193 = arith.addi %add3A_184, %xor3A_192 : vector<16xi32>
        %shift_left3A_194 = arith.constant 16 : i32
        %shift_left3A_195 = vector.broadcast %shift_left3A_194 : i32 to vector<16xi32>
        %shift_left3A_196 = arith.shli %xor3A_192, %shift_left3A_195 : vector<16xi32>
        %shift_right_logical3A_197 = arith.constant 16 : i32
        %shift_right_logical3A_198 = vector.broadcast %shift_right_logical3A_197 : i32 to vector<16xi32>
        %shift_right_logical3A_199 = arith.shrui %xor3A_192, %shift_right_logical3A_198 : vector<16xi32>
        %or3A_200 = arith.ori %shift_left3A_196, %shift_right_logical3A_199 : vector<16xi32>
        %xor3A_201 = arith.xori %or3A_200, %add3A_193 : vector<16xi32>
        %add3A_202 = arith.addi %add3A_193, %xor3A_201 : vector<16xi32>
        %shift_left3A_203 = arith.constant 24 : i32
        %shift_left3A_204 = vector.broadcast %shift_left3A_203 : i32 to vector<16xi32>
        %shift_left3A_205 = arith.shli %xor3A_201, %shift_left3A_204 : vector<16xi32>
        %shift_right_logical3A_206 = arith.constant 8 : i32
        %shift_right_logical3A_207 = vector.broadcast %shift_right_logical3A_206 : i32 to vector<16xi32>
        %shift_right_logical3A_208 = arith.shrui %xor3A_201, %shift_right_logical3A_207 : vector<16xi32>
        %or3A_209 = arith.ori %shift_left3A_205, %shift_right_logical3A_208 : vector<16xi32>
        %xor3A_210 = arith.xori %or3A_209, %add3A_202 : vector<16xi32>
        %add3A_211 = arith.constant 42 : i32
        %add3A_212 = vector.broadcast %add3A_211 : i32 to vector<16xi32>
        %add3A_213 = arith.addi %add3A_202, %add3A_212 : vector<16xi32>
        %add3A_214 = arith.constant 466689012 : i32
        %add3A_215 = vector.broadcast %add3A_214 : i32 to vector<16xi32>
        %add3A_216 = arith.addi %xor3A_210, %add3A_215 : vector<16xi32>
        %add3A_217 = arith.addi %add3A_213, %add3A_216 : vector<16xi32>
        %shift_left3A_218 = arith.constant 13 : i32
        %shift_left3A_219 = vector.broadcast %shift_left3A_218 : i32 to vector<16xi32>
        %shift_left3A_220 = arith.shli %add3A_216, %shift_left3A_219 : vector<16xi32>
        %shift_right_logical3A_221 = arith.constant 19 : i32
        %shift_right_logical3A_222 = vector.broadcast %shift_right_logical3A_221 : i32 to vector<16xi32>
        %shift_right_logical3A_223 = arith.shrui %add3A_216, %shift_right_logical3A_222 : vector<16xi32>
        %or3A_224 = arith.ori %shift_left3A_220, %shift_right_logical3A_223 : vector<16xi32>
        %xor3A_225 = arith.xori %or3A_224, %add3A_217 : vector<16xi32>
        %add3A_226 = arith.addi %add3A_217, %xor3A_225 : vector<16xi32>
        %shift_left3A_227 = arith.constant 15 : i32
        %shift_left3A_228 = vector.broadcast %shift_left3A_227 : i32 to vector<16xi32>
        %shift_left3A_229 = arith.shli %xor3A_225, %shift_left3A_228 : vector<16xi32>
        %shift_right_logical3A_230 = arith.constant 17 : i32
        %shift_right_logical3A_231 = vector.broadcast %shift_right_logical3A_230 : i32 to vector<16xi32>
        %shift_right_logical3A_232 = arith.shrui %xor3A_225, %shift_right_logical3A_231 : vector<16xi32>
        %or3A_233 = arith.ori %shift_left3A_229, %shift_right_logical3A_232 : vector<16xi32>
        %xor3A_234 = arith.xori %or3A_233, %add3A_226 : vector<16xi32>
        %add3A_235 = arith.addi %add3A_226, %xor3A_234 : vector<16xi32>
        %shift_left3A_236 = arith.constant 26 : i32
        %shift_left3A_237 = vector.broadcast %shift_left3A_236 : i32 to vector<16xi32>
        %shift_left3A_238 = arith.shli %xor3A_234, %shift_left3A_237 : vector<16xi32>
        %shift_right_logical3A_239 = arith.constant 6 : i32
        %shift_right_logical3A_240 = vector.broadcast %shift_right_logical3A_239 : i32 to vector<16xi32>
        %shift_right_logical3A_241 = arith.shrui %xor3A_234, %shift_right_logical3A_240 : vector<16xi32>
        %or3A_242 = arith.ori %shift_left3A_238, %shift_right_logical3A_241 : vector<16xi32>
        %xor3A_243 = arith.xori %or3A_242, %add3A_235 : vector<16xi32>
        %add3A_244 = arith.addi %add3A_235, %xor3A_243 : vector<16xi32>
        %shift_left3A_245 = arith.constant 6 : i32
        %shift_left3A_246 = vector.broadcast %shift_left3A_245 : i32 to vector<16xi32>
        %shift_left3A_247 = arith.shli %xor3A_243, %shift_left3A_246 : vector<16xi32>
        %shift_right_logical3A_248 = arith.constant 26 : i32
        %shift_right_logical3A_249 = vector.broadcast %shift_right_logical3A_248 : i32 to vector<16xi32>
        %shift_right_logical3A_250 = arith.shrui %xor3A_243, %shift_right_logical3A_249 : vector<16xi32>
        %or3A_251 = arith.ori %shift_left3A_247, %shift_right_logical3A_250 : vector<16xi32>
        %xor3A_252 = arith.xori %or3A_251, %add3A_244 : vector<16xi32>
        %add3A_253 = arith.constant 466689008 : i32
        %add3A_254 = vector.broadcast %add3A_253 : i32 to vector<16xi32>
        %add3A_255 = arith.addi %add3A_244, %add3A_254 : vector<16xi32>
        %add3A_256 = arith.constant 5 : i32
        %add3A_257 = vector.broadcast %add3A_256 : i32 to vector<16xi32>
        %add3A_258 = arith.addi %xor3A_252, %add3A_257 : vector<16xi32>
        %xor3A_259 = arith.xori %add3A_255, %add3A_258 : vector<16xi32>
        %shift_right_logical3A_260 = arith.constant 9 : i32
        %shift_right_logical3A_261 = vector.broadcast %shift_right_logical3A_260 : i32 to vector<16xi32>
        %shift_right_logical3A_262 = arith.shrui %xor3A_259, %shift_right_logical3A_261 : vector<16xi32>
        %or3A_263 = arith.constant 1065353216 : i32
        %or3A_264 = vector.broadcast %or3A_263 : i32 to vector<16xi32>
        %or3A_265 = arith.ori %shift_right_logical3A_262, %or3A_264 : vector<16xi32>
        %bitcast_convert_type3A = tpu.bitcast %or3A_265 : vector<16xi32> -> vector<16xf32>
        %sub3A = arith.constant 1.000000e+00 : f32
        %sub3A_266 = vector.broadcast %sub3A : f32 to vector<16xf32>
        %sub3A_267 = arith.subf %bitcast_convert_type3A, %sub3A_266 : vector<16xf32>
        %add3A_268 = arith.constant 1.17549435E-38 : f32
        %add3A_269 = vector.broadcast %add3A_268 : f32 to vector<16xf32>
        %add3A_270 = arith.addf %sub3A_267, %add3A_269 : vector<16xf32>
        %bitcast_convert_type3A_271 = tpu.bitcast %add3A_270 : vector<16xf32> -> vector<16xi32>
        %shift_right_arithmetic3A_272 = arith.constant 23 : i32
        %shift_right_arithmetic3A_273 = vector.broadcast %shift_right_arithmetic3A_272 : i32 to vector<16xi32>
        %shift_right_arithmetic3A_274 = arith.shrsi %bitcast_convert_type3A_271, %shift_right_arithmetic3A_273 : vector<16xi32>
        %sub3A_275 = arith.constant 127 : i32
        %sub3A_276 = vector.broadcast %sub3A_275 : i32 to vector<16xi32>
        %sub3A_277 = arith.subi %shift_right_arithmetic3A_274, %sub3A_276 : vector<16xi32>
        %and3A_278 = arith.constant 8388607 : i32
        %and3A_279 = vector.broadcast %and3A_278 : i32 to vector<16xi32>
        %and3A_280 = arith.andi %bitcast_convert_type3A_271, %and3A_279 : vector<16xi32>
        %or3A_281 = arith.constant 1065353216 : i32
        %or3A_282 = vector.broadcast %or3A_281 : i32 to vector<16xi32>
        %or3A_283 = arith.ori %and3A_280, %or3A_282 : vector<16xi32>
        %ge3A = arith.constant 1068827891 : i32
        %ge3A_284 = vector.broadcast %ge3A : i32 to vector<16xi32>
        %ge3A_285 = arith.cmpi sge, %or3A_283, %ge3A_284 : vector<16xi32>
        %sub3A_286 = arith.constant 8388608 : i32
        %sub3A_287 = vector.broadcast %sub3A_286 : i32 to vector<16xi32>
        %sub3A_288 = arith.subi %or3A_283, %sub3A_287 : vector<16xi32>
        %select_n3A = arith.select %ge3A_285, %sub3A_288, %or3A_283 : vector<16xi1>, vector<16xi32>
        %add3A_289 = arith.constant 1 : i32
        %add3A_290 = vector.broadcast %add3A_289 : i32 to vector<16xi32>
        %add3A_291 = arith.addi %sub3A_277, %add3A_290 : vector<16xi32>
        %select_n3A_292 = arith.select %ge3A_285, %add3A_291, %sub3A_277 : vector<16xi1>, vector<16xi32>
        %bitcast_convert_type3A_293 = tpu.bitcast %select_n3A : vector<16xi32> -> vector<16xf32>
        %sub3A_294 = arith.constant 1.000000e+00 : f32
        %sub3A_295 = vector.broadcast %sub3A_294 : f32 to vector<16xf32>
        %sub3A_296 = arith.subf %bitcast_convert_type3A_293, %sub3A_295 : vector<16xf32>
        %add3A_297 = arith.constant 1.000000e+00 : f32
        %add3A_298 = vector.broadcast %add3A_297 : f32 to vector<16xf32>
        %add3A_299 = arith.addf %bitcast_convert_type3A_293, %add3A_298 : vector<16xf32>
        %div3A = arith.divf %sub3A_296, %add3A_299 : vector<16xf32>
        %mul3A_300 = arith.mulf %div3A, %div3A : vector<16xf32>
        %mul3A_301 = arith.constant 0.222222224 : f32
        %mul3A_302 = vector.broadcast %mul3A_301 : f32 to vector<16xf32>
        %mul3A_303 = arith.mulf %mul3A_302, %mul3A_300 : vector<16xf32>
        %add3A_304 = arith.constant 0.285714298 : f32
        %add3A_305 = vector.broadcast %add3A_304 : f32 to vector<16xf32>
        %add3A_306 = arith.addf %mul3A_303, %add3A_305 : vector<16xf32>
        %mul3A_307 = arith.mulf %add3A_306, %mul3A_300 : vector<16xf32>
        %add3A_308 = arith.constant 4.000000e-01 : f32
        %add3A_309 = vector.broadcast %add3A_308 : f32 to vector<16xf32>
        %add3A_310 = arith.addf %mul3A_307, %add3A_309 : vector<16xf32>
        %mul3A_311 = arith.mulf %add3A_310, %mul3A_300 : vector<16xf32>
        %add3A_312 = arith.constant 0.666666686 : f32
        %add3A_313 = vector.broadcast %add3A_312 : f32 to vector<16xf32>
        %add3A_314 = arith.addf %mul3A_311, %add3A_313 : vector<16xf32>
        %mul3A_315 = arith.mulf %add3A_314, %mul3A_300 : vector<16xf32>
        %add3A_316 = arith.constant 2.000000e+00 : f32
        %add3A_317 = vector.broadcast %add3A_316 : f32 to vector<16xf32>
        %add3A_318 = arith.addf %mul3A_315, %add3A_317 : vector<16xf32>
        %convert_element_type3A = arith.sitofp %select_n3A_292 : vector<16xi32> to vector<16xf32>
        %mul3A_319 = arith.constant 0.693147182 : f32
        %mul3A_320 = vector.broadcast %mul3A_319 : f32 to vector<16xf32>
        %mul3A_321 = arith.mulf %convert_element_type3A, %mul3A_320 : vector<16xf32>
        %mul3A_322 = arith.mulf %div3A, %add3A_318 : vector<16xf32>
        %add3A_323 = arith.addf %mul3A_321, %mul3A_322 : vector<16xf32>
        %neg3A = arith.constant 0.000000e+00 : f32
        %neg3A_324 = vector.broadcast %neg3A : f32 to vector<16xf32>
        %neg3A_325 = arith.subf %neg3A_324, %add3A_323 : vector<16xf32>
        %gather3A = tpu.vector_load_idx %arg6[%iota3A, %broadcast_in_dim3A_49] : memref<16x1024xf32, #tpu.memory_space<vmem>>[vector<16xi32>, vector<16xi32>], vector<16xf32>,
        %neg3A_326 = arith.constant 0.000000e+00 : f32
        %neg3A_327 = vector.broadcast %neg3A_326 : f32 to vector<16xf32>
        %neg3A_328 = arith.subf %neg3A_327, %gather3A : vector<16xf32>
        %exp3A = math.exp %neg3A_328 : vector<16xf32>
        %mul3A_329 = arith.mulf %neg3A_325, %exp3A : vector<16xf32>
        %lt3A = arith.cmpf olt, %mul3A_329, %scan3A_47 : vector<16xf32>
        %select_n3A_330 = arith.select %lt3A, %mul3A_329, %scan3A_47 : vector<16xi1>, vector<16xf32>
        %select_n3A_331 = arith.select %lt3A, %broadcast_in_dim3A_49, %scan3A_48 : vector<16xi1>, vector<16xi32>
        %scan3A_332 = arith.constant 1 : i32
        %scan3A_333 = arith.addi %scan3A_46, %scan3A_332 : i32
        %broadcast_in_dim3A_334 = vector.broadcast %scan3A_333 : i32 to vector<16xi32>
        %add3A_335 = arith.addi %add3A_27, %scan3A_333 : i32
        %add3A_336 = vector.broadcast %add3A_335 : i32 to vector<16xi32>
        %add3A_337 = arith.addi %mul3A_3, %add3A_336 : vector<16xi32>
        %shift_left3A_338 = arith.constant 13 : i32
        %shift_left3A_339 = vector.broadcast %shift_left3A_338 : i32 to vector<16xi32>
        %shift_left3A_340 = arith.shli %add3A_337, %shift_left3A_339 : vector<16xi32>
        %shift_right_logical3A_341 = arith.constant 19 : i32
        %shift_right_logical3A_342 = vector.broadcast %shift_right_logical3A_341 : i32 to vector<16xi32>
        %shift_right_logical3A_343 = arith.shrui %add3A_337, %shift_right_logical3A_342 : vector<16xi32>
        %or3A_344 = arith.ori %shift_left3A_340, %shift_right_logical3A_343 : vector<16xi32>
        %xor3A_345 = arith.xori %or3A_344, %add3A_337 : vector<16xi32>
        %add3A_346 = arith.addi %add3A_337, %xor3A_345 : vector<16xi32>
        %shift_left3A_347 = arith.constant 15 : i32
        %shift_left3A_348 = vector.broadcast %shift_left3A_347 : i32 to vector<16xi32>
        %shift_left3A_349 = arith.shli %xor3A_345, %shift_left3A_348 : vector<16xi32>
        %shift_right_logical3A_350 = arith.constant 17 : i32
        %shift_right_logical3A_351 = vector.broadcast %shift_right_logical3A_350 : i32 to vector<16xi32>
        %shift_right_logical3A_352 = arith.shrui %xor3A_345, %shift_right_logical3A_351 : vector<16xi32>
        %or3A_353 = arith.ori %shift_left3A_349, %shift_right_logical3A_352 : vector<16xi32>
        %xor3A_354 = arith.xori %or3A_353, %add3A_346 : vector<16xi32>
        %add3A_355 = arith.addi %add3A_346, %xor3A_354 : vector<16xi32>
        %shift_left3A_356 = arith.constant 26 : i32
        %shift_left3A_357 = vector.broadcast %shift_left3A_356 : i32 to vector<16xi32>
        %shift_left3A_358 = arith.shli %xor3A_354, %shift_left3A_357 : vector<16xi32>
        %shift_right_logical3A_359 = arith.constant 6 : i32
        %shift_right_logical3A_360 = vector.broadcast %shift_right_logical3A_359 : i32 to vector<16xi32>
        %shift_right_logical3A_361 = arith.shrui %xor3A_354, %shift_right_logical3A_360 : vector<16xi32>
        %or3A_362 = arith.ori %shift_left3A_358, %shift_right_logical3A_361 : vector<16xi32>
        %xor3A_363 = arith.xori %or3A_362, %add3A_355 : vector<16xi32>
        %add3A_364 = arith.addi %add3A_355, %xor3A_363 : vector<16xi32>
        %shift_left3A_365 = arith.constant 6 : i32
        %shift_left3A_366 = vector.broadcast %shift_left3A_365 : i32 to vector<16xi32>
        %shift_left3A_367 = arith.shli %xor3A_363, %shift_left3A_366 : vector<16xi32>
        %shift_right_logical3A_368 = arith.constant 26 : i32
        %shift_right_logical3A_369 = vector.broadcast %shift_right_logical3A_368 : i32 to vector<16xi32>
        %shift_right_logical3A_370 = arith.shrui %xor3A_363, %shift_right_logical3A_369 : vector<16xi32>
        %or3A_371 = arith.ori %shift_left3A_367, %shift_right_logical3A_370 : vector<16xi32>
        %xor3A_372 = arith.xori %or3A_371, %add3A_364 : vector<16xi32>
        %add3A_373 = arith.constant 42 : i32
        %add3A_374 = vector.broadcast %add3A_373 : i32 to vector<16xi32>
        %add3A_375 = arith.addi %add3A_364, %add3A_374 : vector<16xi32>
        %add3A_376 = arith.constant 466689009 : i32
        %add3A_377 = vector.broadcast %add3A_376 : i32 to vector<16xi32>
        %add3A_378 = arith.addi %xor3A_372, %add3A_377 : vector<16xi32>
        %add3A_379 = arith.addi %add3A_375, %add3A_378 : vector<16xi32>
        %shift_left3A_380 = arith.constant 17 : i32
        %shift_left3A_381 = vector.broadcast %shift_left3A_380 : i32 to vector<16xi32>
        %shift_left3A_382 = arith.shli %add3A_378, %shift_left3A_381 : vector<16xi32>
        %shift_right_logical3A_383 = arith.constant 15 : i32
        %shift_right_logical3A_384 = vector.broadcast %shift_right_logical3A_383 : i32 to vector<16xi32>
        %shift_right_logical3A_385 = arith.shrui %add3A_378, %shift_right_logical3A_384 : vector<16xi32>
        %or3A_386 = arith.ori %shift_left3A_382, %shift_right_logical3A_385 : vector<16xi32>
        %xor3A_387 = arith.xori %or3A_386, %add3A_379 : vector<16xi32>
        %add3A_388 = arith.addi %add3A_379, %xor3A_387 : vector<16xi32>
        %shift_left3A_389 = arith.constant 29 : i32
        %shift_left3A_390 = vector.broadcast %shift_left3A_389 : i32 to vector<16xi32>
        %shift_left3A_391 = arith.shli %xor3A_387, %shift_left3A_390 : vector<16xi32>
        %shift_right_logical3A_392 = arith.constant 3 : i32
        %shift_right_logical3A_393 = vector.broadcast %shift_right_logical3A_392 : i32 to vector<16xi32>
        %shift_right_logical3A_394 = arith.shrui %xor3A_387, %shift_right_logical3A_393 : vector<16xi32>
        %or3A_395 = arith.ori %shift_left3A_391, %shift_right_logical3A_394 : vector<16xi32>
        %xor3A_396 = arith.xori %or3A_395, %add3A_388 : vector<16xi32>
        %add3A_397 = arith.addi %add3A_388, %xor3A_396 : vector<16xi32>
        %shift_left3A_398 = arith.constant 16 : i32
        %shift_left3A_399 = vector.broadcast %shift_left3A_398 : i32 to vector<16xi32>
        %shift_left3A_400 = arith.shli %xor3A_396, %shift_left3A_399 : vector<16xi32>
        %shift_right_logical3A_401 = arith.constant 16 : i32
        %shift_right_logical3A_402 = vector.broadcast %shift_right_logical3A_401 : i32 to vector<16xi32>
        %shift_right_logical3A_403 = arith.shrui %xor3A_396, %shift_right_logical3A_402 : vector<16xi32>
        %or3A_404 = arith.ori %shift_left3A_400, %shift_right_logical3A_403 : vector<16xi32>
        %xor3A_405 = arith.xori %or3A_404, %add3A_397 : vector<16xi32>
        %add3A_406 = arith.addi %add3A_397, %xor3A_405 : vector<16xi32>
        %shift_left3A_407 = arith.constant 24 : i32
        %shift_left3A_408 = vector.broadcast %shift_left3A_407 : i32 to vector<16xi32>
        %shift_left3A_409 = arith.shli %xor3A_405, %shift_left3A_408 : vector<16xi32>
        %shift_right_logical3A_410 = arith.constant 8 : i32
        %shift_right_logical3A_411 = vector.broadcast %shift_right_logical3A_410 : i32 to vector<16xi32>
        %shift_right_logical3A_412 = arith.shrui %xor3A_405, %shift_right_logical3A_411 : vector<16xi32>
        %or3A_413 = arith.ori %shift_left3A_409, %shift_right_logical3A_412 : vector<16xi32>
        %xor3A_414 = arith.xori %or3A_413, %add3A_406 : vector<16xi32>
        %add3A_415 = arith.constant 466689008 : i32
        %add3A_416 = vector.broadcast %add3A_415 : i32 to vector<16xi32>
        %add3A_417 = arith.addi %add3A_406, %add3A_416 : vector<16xi32>
        %add3A_418 = arith.constant 2 : i32
        %add3A_419 = vector.broadcast %add3A_418 : i32 to vector<16xi32>
        %add3A_420 = arith.addi %xor3A_414, %add3A_419 : vector<16xi32>
        %add3A_421 = arith.addi %add3A_417, %add3A_420 : vector<16xi32>
        %shift_left3A_422 = arith.constant 13 : i32
        %shift_left3A_423 = vector.broadcast %shift_left3A_422 : i32 to vector<16xi32>
        %shift_left3A_424 = arith.shli %add3A_420, %shift_left3A_423 : vector<16xi32>
        %shift_right_logical3A_425 = arith.constant 19 : i32
        %shift_right_logical3A_426 = vector.broadcast %shift_right_logical3A_425 : i32 to vector<16xi32>
        %shift_right_logical3A_427 = arith.shrui %add3A_420, %shift_right_logical3A_426 : vector<16xi32>
        %or3A_428 = arith.ori %shift_left3A_424, %shift_right_logical3A_427 : vector<16xi32>
        %xor3A_429 = arith.xori %or3A_428, %add3A_421 : vector<16xi32>
        %add3A_430 = arith.addi %add3A_421, %xor3A_429 : vector<16xi32>
        %shift_left3A_431 = arith.constant 15 : i32
        %shift_left3A_432 = vector.broadcast %shift_left3A_431 : i32 to vector<16xi32>
        %shift_left3A_433 = arith.shli %xor3A_429, %shift_left3A_432 : vector<16xi32>
        %shift_right_logical3A_434 = arith.constant 17 : i32
        %shift_right_logical3A_435 = vector.broadcast %shift_right_logical3A_434 : i32 to vector<16xi32>
        %shift_right_logical3A_436 = arith.shrui %xor3A_429, %shift_right_logical3A_435 : vector<16xi32>
        %or3A_437 = arith.ori %shift_left3A_433, %shift_right_logical3A_436 : vector<16xi32>
        %xor3A_438 = arith.xori %or3A_437, %add3A_430 : vector<16xi32>
        %add3A_439 = arith.addi %add3A_430, %xor3A_438 : vector<16xi32>
        %shift_left3A_440 = arith.constant 26 : i32
        %shift_left3A_441 = vector.broadcast %shift_left3A_440 : i32 to vector<16xi32>
        %shift_left3A_442 = arith.shli %xor3A_438, %shift_left3A_441 : vector<16xi32>
        %shift_right_logical3A_443 = arith.constant 6 : i32
        %shift_right_logical3A_444 = vector.broadcast %shift_right_logical3A_443 : i32 to vector<16xi32>
        %shift_right_logical3A_445 = arith.shrui %xor3A_438, %shift_right_logical3A_444 : vector<16xi32>
        %or3A_446 = arith.ori %shift_left3A_442, %shift_right_logical3A_445 : vector<16xi32>
        %xor3A_447 = arith.xori %or3A_446, %add3A_439 : vector<16xi32>
        %add3A_448 = arith.addi %add3A_439, %xor3A_447 : vector<16xi32>
        %shift_left3A_449 = arith.constant 6 : i32
        %shift_left3A_450 = vector.broadcast %shift_left3A_449 : i32 to vector<16xi32>
        %shift_left3A_451 = arith.shli %xor3A_447, %shift_left3A_450 : vector<16xi32>
        %shift_right_logical3A_452 = arith.constant 26 : i32
        %shift_right_logical3A_453 = vector.broadcast %shift_right_logical3A_452 : i32 to vector<16xi32>
        %shift_right_logical3A_454 = arith.shrui %xor3A_447, %shift_right_logical3A_453 : vector<16xi32>
        %or3A_455 = arith.ori %shift_left3A_451, %shift_right_logical3A_454 : vector<16xi32>
        %xor3A_456 = arith.xori %or3A_455, %add3A_448 : vector<16xi32>
        %add3A_457 = arith.constant 0 : i32
        %add3A_458 = vector.broadcast %add3A_457 : i32 to vector<16xi32>
        %add3A_459 = arith.addi %add3A_448, %add3A_458 : vector<16xi32>
        %add3A_460 = arith.constant 45 : i32
        %add3A_461 = vector.broadcast %add3A_460 : i32 to vector<16xi32>
        %add3A_462 = arith.addi %xor3A_456, %add3A_461 : vector<16xi32>
        %add3A_463 = arith.addi %add3A_459, %add3A_462 : vector<16xi32>
        %shift_left3A_464 = arith.constant 17 : i32
        %shift_left3A_465 = vector.broadcast %shift_left3A_464 : i32 to vector<16xi32>
        %shift_left3A_466 = arith.shli %add3A_462, %shift_left3A_465 : vector<16xi32>
        %shift_right_logical3A_467 = arith.constant 15 : i32
        %shift_right_logical3A_468 = vector.broadcast %shift_right_logical3A_467 : i32 to vector<16xi32>
        %shift_right_logical3A_469 = arith.shrui %add3A_462, %shift_right_logical3A_468 : vector<16xi32>
        %or3A_470 = arith.ori %shift_left3A_466, %shift_right_logical3A_469 : vector<16xi32>
        %xor3A_471 = arith.xori %or3A_470, %add3A_463 : vector<16xi32>
        %add3A_472 = arith.addi %add3A_463, %xor3A_471 : vector<16xi32>
        %shift_left3A_473 = arith.constant 29 : i32
        %shift_left3A_474 = vector.broadcast %shift_left3A_473 : i32 to vector<16xi32>
        %shift_left3A_475 = arith.shli %xor3A_471, %shift_left3A_474 : vector<16xi32>
        %shift_right_logical3A_476 = arith.constant 3 : i32
        %shift_right_logical3A_477 = vector.broadcast %shift_right_logical3A_476 : i32 to vector<16xi32>
        %shift_right_logical3A_478 = arith.shrui %xor3A_471, %shift_right_logical3A_477 : vector<16xi32>
        %or3A_479 = arith.ori %shift_left3A_475, %shift_right_logical3A_478 : vector<16xi32>
        %xor3A_480 = arith.xori %or3A_479, %add3A_472 : vector<16xi32>
        %add3A_481 = arith.addi %add3A_472, %xor3A_480 : vector<16xi32>
        %shift_left3A_482 = arith.constant 16 : i32
        %shift_left3A_483 = vector.broadcast %shift_left3A_482 : i32 to vector<16xi32>
        %shift_left3A_484 = arith.shli %xor3A_480, %shift_left3A_483 : vector<16xi32>
        %shift_right_logical3A_485 = arith.constant 16 : i32
        %shift_right_logical3A_486 = vector.broadcast %shift_right_logical3A_485 : i32 to vector<16xi32>
        %shift_right_logical3A_487 = arith.shrui %xor3A_480, %shift_right_logical3A_486 : vector<16xi32>
        %or3A_488 = arith.ori %shift_left3A_484, %shift_right_logical3A_487 : vector<16xi32>
        %xor3A_489 = arith.xori %or3A_488, %add3A_481 : vector<16xi32>
        %add3A_490 = arith.addi %add3A_481, %xor3A_489 : vector<16xi32>
        %shift_left3A_491 = arith.constant 24 : i32
        %shift_left3A_492 = vector.broadcast %shift_left3A_491 : i32 to vector<16xi32>
        %shift_left3A_493 = arith.shli %xor3A_489, %shift_left3A_492 : vector<16xi32>
        %shift_right_logical3A_494 = arith.constant 8 : i32
        %shift_right_logical3A_495 = vector.broadcast %shift_right_logical3A_494 : i32 to vector<16xi32>
        %shift_right_logical3A_496 = arith.shrui %xor3A_489, %shift_right_logical3A_495 : vector<16xi32>
        %or3A_497 = arith.ori %shift_left3A_493, %shift_right_logical3A_496 : vector<16xi32>
        %xor3A_498 = arith.xori %or3A_497, %add3A_490 : vector<16xi32>
        %add3A_499 = arith.constant 42 : i32
        %add3A_500 = vector.broadcast %add3A_499 : i32 to vector<16xi32>
        %add3A_501 = arith.addi %add3A_490, %add3A_500 : vector<16xi32>
        %add3A_502 = arith.constant 466689012 : i32
        %add3A_503 = vector.broadcast %add3A_502 : i32 to vector<16xi32>
        %add3A_504 = arith.addi %xor3A_498, %add3A_503 : vector<16xi32>
        %add3A_505 = arith.addi %add3A_501, %add3A_504 : vector<16xi32>
        %shift_left3A_506 = arith.constant 13 : i32
        %shift_left3A_507 = vector.broadcast %shift_left3A_506 : i32 to vector<16xi32>
        %shift_left3A_508 = arith.shli %add3A_504, %shift_left3A_507 : vector<16xi32>
        %shift_right_logical3A_509 = arith.constant 19 : i32
        %shift_right_logical3A_510 = vector.broadcast %shift_right_logical3A_509 : i32 to vector<16xi32>
        %shift_right_logical3A_511 = arith.shrui %add3A_504, %shift_right_logical3A_510 : vector<16xi32>
        %or3A_512 = arith.ori %shift_left3A_508, %shift_right_logical3A_511 : vector<16xi32>
        %xor3A_513 = arith.xori %or3A_512, %add3A_505 : vector<16xi32>
        %add3A_514 = arith.addi %add3A_505, %xor3A_513 : vector<16xi32>
        %shift_left3A_515 = arith.constant 15 : i32
        %shift_left3A_516 = vector.broadcast %shift_left3A_515 : i32 to vector<16xi32>
        %shift_left3A_517 = arith.shli %xor3A_513, %shift_left3A_516 : vector<16xi32>
        %shift_right_logical3A_518 = arith.constant 17 : i32
        %shift_right_logical3A_519 = vector.broadcast %shift_right_logical3A_518 : i32 to vector<16xi32>
        %shift_right_logical3A_520 = arith.shrui %xor3A_513, %shift_right_logical3A_519 : vector<16xi32>
        %or3A_521 = arith.ori %shift_left3A_517, %shift_right_logical3A_520 : vector<16xi32>
        %xor3A_522 = arith.xori %or3A_521, %add3A_514 : vector<16xi32>
        %add3A_523 = arith.addi %add3A_514, %xor3A_522 : vector<16xi32>
        %shift_left3A_524 = arith.constant 26 : i32
        %shift_left3A_525 = vector.broadcast %shift_left3A_524 : i32 to vector<16xi32>
        %shift_left3A_526 = arith.shli %xor3A_522, %shift_left3A_525 : vector<16xi32>
        %shift_right_logical3A_527 = arith.constant 6 : i32
        %shift_right_logical3A_528 = vector.broadcast %shift_right_logical3A_527 : i32 to vector<16xi32>
        %shift_right_logical3A_529 = arith.shrui %xor3A_522, %shift_right_logical3A_528 : vector<16xi32>
        %or3A_530 = arith.ori %shift_left3A_526, %shift_right_logical3A_529 : vector<16xi32>
        %xor3A_531 = arith.xori %or3A_530, %add3A_523 : vector<16xi32>
        %add3A_532 = arith.addi %add3A_523, %xor3A_531 : vector<16xi32>
        %shift_left3A_533 = arith.constant 6 : i32
        %shift_left3A_534 = vector.broadcast %shift_left3A_533 : i32 to vector<16xi32>
        %shift_left3A_535 = arith.shli %xor3A_531, %shift_left3A_534 : vector<16xi32>
        %shift_right_logical3A_536 = arith.constant 26 : i32
        %shift_right_logical3A_537 = vector.broadcast %shift_right_logical3A_536 : i32 to vector<16xi32>
        %shift_right_logical3A_538 = arith.shrui %xor3A_531, %shift_right_logical3A_537 : vector<16xi32>
        %or3A_539 = arith.ori %shift_left3A_535, %shift_right_logical3A_538 : vector<16xi32>
        %xor3A_540 = arith.xori %or3A_539, %add3A_532 : vector<16xi32>
        %add3A_541 = arith.constant 466689008 : i32
        %add3A_542 = vector.broadcast %add3A_541 : i32 to vector<16xi32>
        %add3A_543 = arith.addi %add3A_532, %add3A_542 : vector<16xi32>
        %add3A_544 = arith.constant 5 : i32
        %add3A_545 = vector.broadcast %add3A_544 : i32 to vector<16xi32>
        %add3A_546 = arith.addi %xor3A_540, %add3A_545 : vector<16xi32>
        %xor3A_547 = arith.xori %add3A_543, %add3A_546 : vector<16xi32>
        %shift_right_logical3A_548 = arith.constant 9 : i32
        %shift_right_logical3A_549 = vector.broadcast %shift_right_logical3A_548 : i32 to vector<16xi32>
        %shift_right_logical3A_550 = arith.shrui %xor3A_547, %shift_right_logical3A_549 : vector<16xi32>
        %or3A_551 = arith.constant 1065353216 : i32
        %or3A_552 = vector.broadcast %or3A_551 : i32 to vector<16xi32>
        %or3A_553 = arith.ori %shift_right_logical3A_550, %or3A_552 : vector<16xi32>
        %bitcast_convert_type3A_554 = tpu.bitcast %or3A_553 : vector<16xi32> -> vector<16xf32>
        %sub3A_555 = arith.constant 1.000000e+00 : f32
        %sub3A_556 = vector.broadcast %sub3A_555 : f32 to vector<16xf32>
        %sub3A_557 = arith.subf %bitcast_convert_type3A_554, %sub3A_556 : vector<16xf32>
        %add3A_558 = arith.constant 1.17549435E-38 : f32
        %add3A_559 = vector.broadcast %add3A_558 : f32 to vector<16xf32>
        %add3A_560 = arith.addf %sub3A_557, %add3A_559 : vector<16xf32>
        %bitcast_convert_type3A_561 = tpu.bitcast %add3A_560 : vector<16xf32> -> vector<16xi32>
        %shift_right_arithmetic3A_562 = arith.constant 23 : i32
        %shift_right_arithmetic3A_563 = vector.broadcast %shift_right_arithmetic3A_562 : i32 to vector<16xi32>
        %shift_right_arithmetic3A_564 = arith.shrsi %bitcast_convert_type3A_561, %shift_right_arithmetic3A_563 : vector<16xi32>
        %sub3A_565 = arith.constant 127 : i32
        %sub3A_566 = vector.broadcast %sub3A_565 : i32 to vector<16xi32>
        %sub3A_567 = arith.subi %shift_right_arithmetic3A_564, %sub3A_566 : vector<16xi32>
        %and3A_568 = arith.constant 8388607 : i32
        %and3A_569 = vector.broadcast %and3A_568 : i32 to vector<16xi32>
        %and3A_570 = arith.andi %bitcast_convert_type3A_561, %and3A_569 : vector<16xi32>
        %or3A_571 = arith.constant 1065353216 : i32
        %or3A_572 = vector.broadcast %or3A_571 : i32 to vector<16xi32>
        %or3A_573 = arith.ori %and3A_570, %or3A_572 : vector<16xi32>
        %ge3A_574 = arith.constant 1068827891 : i32
        %ge3A_575 = vector.broadcast %ge3A_574 : i32 to vector<16xi32>
        %ge3A_576 = arith.cmpi sge, %or3A_573, %ge3A_575 : vector<16xi32>
        %sub3A_577 = arith.constant 8388608 : i32
        %sub3A_578 = vector.broadcast %sub3A_577 : i32 to vector<16xi32>
        %sub3A_579 = arith.subi %or3A_573, %sub3A_578 : vector<16xi32>
        %select_n3A_580 = arith.select %ge3A_576, %sub3A_579, %or3A_573 : vector<16xi1>, vector<16xi32>
        %add3A_581 = arith.constant 1 : i32
        %add3A_582 = vector.broadcast %add3A_581 : i32 to vector<16xi32>
        %add3A_583 = arith.addi %sub3A_567, %add3A_582 : vector<16xi32>
        %select_n3A_584 = arith.select %ge3A_576, %add3A_583, %sub3A_567 : vector<16xi1>, vector<16xi32>
        %bitcast_convert_type3A_585 = tpu.bitcast %select_n3A_580 : vector<16xi32> -> vector<16xf32>
        %sub3A_586 = arith.constant 1.000000e+00 : f32
        %sub3A_587 = vector.broadcast %sub3A_586 : f32 to vector<16xf32>
        %sub3A_588 = arith.subf %bitcast_convert_type3A_585, %sub3A_587 : vector<16xf32>
        %add3A_589 = arith.constant 1.000000e+00 : f32
        %add3A_590 = vector.broadcast %add3A_589 : f32 to vector<16xf32>
        %add3A_591 = arith.addf %bitcast_convert_type3A_585, %add3A_590 : vector<16xf32>
        %div3A_592 = arith.divf %sub3A_588, %add3A_591 : vector<16xf32>
        %mul3A_593 = arith.mulf %div3A_592, %div3A_592 : vector<16xf32>
        %mul3A_594 = arith.constant 0.222222224 : f32
        %mul3A_595 = vector.broadcast %mul3A_594 : f32 to vector<16xf32>
        %mul3A_596 = arith.mulf %mul3A_595, %mul3A_593 : vector<16xf32>
        %add3A_597 = arith.constant 0.285714298 : f32
        %add3A_598 = vector.broadcast %add3A_597 : f32 to vector<16xf32>
        %add3A_599 = arith.addf %mul3A_596, %add3A_598 : vector<16xf32>
        %mul3A_600 = arith.mulf %add3A_599, %mul3A_593 : vector<16xf32>
        %add3A_601 = arith.constant 4.000000e-01 : f32
        %add3A_602 = vector.broadcast %add3A_601 : f32 to vector<16xf32>
        %add3A_603 = arith.addf %mul3A_600, %add3A_602 : vector<16xf32>
        %mul3A_604 = arith.mulf %add3A_603, %mul3A_593 : vector<16xf32>
        %add3A_605 = arith.constant 0.666666686 : f32
        %add3A_606 = vector.broadcast %add3A_605 : f32 to vector<16xf32>
        %add3A_607 = arith.addf %mul3A_604, %add3A_606 : vector<16xf32>
        %mul3A_608 = arith.mulf %add3A_607, %mul3A_593 : vector<16xf32>
        %add3A_609 = arith.constant 2.000000e+00 : f32
        %add3A_610 = vector.broadcast %add3A_609 : f32 to vector<16xf32>
        %add3A_611 = arith.addf %mul3A_608, %add3A_610 : vector<16xf32>
        %convert_element_type3A_612 = arith.sitofp %select_n3A_584 : vector<16xi32> to vector<16xf32>
        %mul3A_613 = arith.constant 0.693147182 : f32
        %mul3A_614 = vector.broadcast %mul3A_613 : f32 to vector<16xf32>
        %mul3A_615 = arith.mulf %convert_element_type3A_612, %mul3A_614 : vector<16xf32>
        %mul3A_616 = arith.mulf %div3A_592, %add3A_611 : vector<16xf32>
        %add3A_617 = arith.addf %mul3A_615, %mul3A_616 : vector<16xf32>
        %neg3A_618 = arith.constant 0.000000e+00 : f32
        %neg3A_619 = vector.broadcast %neg3A_618 : f32 to vector<16xf32>
        %neg3A_620 = arith.subf %neg3A_619, %add3A_617 : vector<16xf32>
        %gather3A_621 = tpu.vector_load_idx %arg6[%iota3A, %broadcast_in_dim3A_334] : memref<16x1024xf32, #tpu.memory_space<vmem>>[vector<16xi32>, vector<16xi32>], vector<16xf32>,
        %neg3A_622 = arith.constant 0.000000e+00 : f32
        %neg3A_623 = vector.broadcast %neg3A_622 : f32 to vector<16xf32>
        %neg3A_624 = arith.subf %neg3A_623, %gather3A_621 : vector<16xf32>
        %exp3A_625 = math.exp %neg3A_624 : vector<16xf32>
        %mul3A_626 = arith.mulf %neg3A_620, %exp3A_625 : vector<16xf32>
        %lt3A_627 = arith.cmpf olt, %mul3A_626, %select_n3A_330 : vector<16xf32>
        %select_n3A_628 = arith.select %lt3A_627, %mul3A_626, %select_n3A_330 : vector<16xi1>, vector<16xf32>
        %select_n3A_629 = arith.select %lt3A_627, %broadcast_in_dim3A_334, %select_n3A_331 : vector<16xi1>, vector<16xi32>
        %scan3A_630 = arith.constant 2 : i32
        %scan3A_631 = arith.addi %scan3A_46, %scan3A_630 : i32
        %broadcast_in_dim3A_632 = vector.broadcast %scan3A_631 : i32 to vector<16xi32>
        %add3A_633 = arith.addi %add3A_27, %scan3A_631 : i32
        %add3A_634 = vector.broadcast %add3A_633 : i32 to vector<16xi32>
        %add3A_635 = arith.addi %mul3A_3, %add3A_634 : vector<16xi32>
        %shift_left3A_636 = arith.constant 13 : i32
        %shift_left3A_637 = vector.broadcast %shift_left3A_636 : i32 to vector<16xi32>
        %shift_left3A_638 = arith.shli %add3A_635, %shift_left3A_637 : vector<16xi32>
        %shift_right_logical3A_639 = arith.constant 19 : i32
        %shift_right_logical3A_640 = vector.broadcast %shift_right_logical3A_639 : i32 to vector<16xi32>
        %shift_right_logical3A_641 = arith.shrui %add3A_635, %shift_right_logical3A_640 : vector<16xi32>
        %or3A_642 = arith.ori %shift_left3A_638, %shift_right_logical3A_641 : vector<16xi32>
        %xor3A_643 = arith.xori %or3A_642, %add3A_635 : vector<16xi32>
        %add3A_644 = arith.addi %add3A_635, %xor3A_643 : vector<16xi32>
        %shift_left3A_645 = arith.constant 15 : i32
        %shift_left3A_646 = vector.broadcast %shift_left3A_645 : i32 to vector<16xi32>
        %shift_left3A_647 = arith.shli %xor3A_643, %shift_left3A_646 : vector<16xi32>
        %shift_right_logical3A_648 = arith.constant 17 : i32
        %shift_right_logical3A_649 = vector.broadcast %shift_right_logical3A_648 : i32 to vector<16xi32>
        %shift_right_logical3A_650 = arith.shrui %xor3A_643, %shift_right_logical3A_649 : vector<16xi32>
        %or3A_651 = arith.ori %shift_left3A_647, %shift_right_logical3A_650 : vector<16xi32>
        %xor3A_652 = arith.xori %or3A_651, %add3A_644 : vector<16xi32>
        %add3A_653 = arith.addi %add3A_644, %xor3A_652 : vector<16xi32>
        %shift_left3A_654 = arith.constant 26 : i32
        %shift_left3A_655 = vector.broadcast %shift_left3A_654 : i32 to vector<16xi32>
        %shift_left3A_656 = arith.shli %xor3A_652, %shift_left3A_655 : vector<16xi32>
        %shift_right_logical3A_657 = arith.constant 6 : i32
        %shift_right_logical3A_658 = vector.broadcast %shift_right_logical3A_657 : i32 to vector<16xi32>
        %shift_right_logical3A_659 = arith.shrui %xor3A_652, %shift_right_logical3A_658 : vector<16xi32>
        %or3A_660 = arith.ori %shift_left3A_656, %shift_right_logical3A_659 : vector<16xi32>
        %xor3A_661 = arith.xori %or3A_660, %add3A_653 : vector<16xi32>
        %add3A_662 = arith.addi %add3A_653, %xor3A_661 : vector<16xi32>
        %shift_left3A_663 = arith.constant 6 : i32
        %shift_left3A_664 = vector.broadcast %shift_left3A_663 : i32 to vector<16xi32>
        %shift_left3A_665 = arith.shli %xor3A_661, %shift_left3A_664 : vector<16xi32>
        %shift_right_logical3A_666 = arith.constant 26 : i32
        %shift_right_logical3A_667 = vector.broadcast %shift_right_logical3A_666 : i32 to vector<16xi32>
        %shift_right_logical3A_668 = arith.shrui %xor3A_661, %shift_right_logical3A_667 : vector<16xi32>
        %or3A_669 = arith.ori %shift_left3A_665, %shift_right_logical3A_668 : vector<16xi32>
        %xor3A_670 = arith.xori %or3A_669, %add3A_662 : vector<16xi32>
        %add3A_671 = arith.constant 42 : i32
        %add3A_672 = vector.broadcast %add3A_671 : i32 to vector<16xi32>
        %add3A_673 = arith.addi %add3A_662, %add3A_672 : vector<16xi32>
        %add3A_674 = arith.constant 466689009 : i32
        %add3A_675 = vector.broadcast %add3A_674 : i32 to vector<16xi32>
        %add3A_676 = arith.addi %xor3A_670, %add3A_675 : vector<16xi32>
        %add3A_677 = arith.addi %add3A_673, %add3A_676 : vector<16xi32>
        %shift_left3A_678 = arith.constant 17 : i32
        %shift_left3A_679 = vector.broadcast %shift_left3A_678 : i32 to vector<16xi32>
        %shift_left3A_680 = arith.shli %add3A_676, %shift_left3A_679 : vector<16xi32>
        %shift_right_logical3A_681 = arith.constant 15 : i32
        %shift_right_logical3A_682 = vector.broadcast %shift_right_logical3A_681 : i32 to vector<16xi32>
        %shift_right_logical3A_683 = arith.shrui %add3A_676, %shift_right_logical3A_682 : vector<16xi32>
        %or3A_684 = arith.ori %shift_left3A_680, %shift_right_logical3A_683 : vector<16xi32>
        %xor3A_685 = arith.xori %or3A_684, %add3A_677 : vector<16xi32>
        %add3A_686 = arith.addi %add3A_677, %xor3A_685 : vector<16xi32>
        %shift_left3A_687 = arith.constant 29 : i32
        %shift_left3A_688 = vector.broadcast %shift_left3A_687 : i32 to vector<16xi32>
        %shift_left3A_689 = arith.shli %xor3A_685, %shift_left3A_688 : vector<16xi32>
        %shift_right_logical3A_690 = arith.constant 3 : i32
        %shift_right_logical3A_691 = vector.broadcast %shift_right_logical3A_690 : i32 to vector<16xi32>
        %shift_right_logical3A_692 = arith.shrui %xor3A_685, %shift_right_logical3A_691 : vector<16xi32>
        %or3A_693 = arith.ori %shift_left3A_689, %shift_right_logical3A_692 : vector<16xi32>
        %xor3A_694 = arith.xori %or3A_693, %add3A_686 : vector<16xi32>
        %add3A_695 = arith.addi %add3A_686, %xor3A_694 : vector<16xi32>
        %shift_left3A_696 = arith.constant 16 : i32
        %shift_left3A_697 = vector.broadcast %shift_left3A_696 : i32 to vector<16xi32>
        %shift_left3A_698 = arith.shli %xor3A_694, %shift_left3A_697 : vector<16xi32>
        %shift_right_logical3A_699 = arith.constant 16 : i32
        %shift_right_logical3A_700 = vector.broadcast %shift_right_logical3A_699 : i32 to vector<16xi32>
        %shift_right_logical3A_701 = arith.shrui %xor3A_694, %shift_right_logical3A_700 : vector<16xi32>
        %or3A_702 = arith.ori %shift_left3A_698, %shift_right_logical3A_701 : vector<16xi32>
        %xor3A_703 = arith.xori %or3A_702, %add3A_695 : vector<16xi32>
        %add3A_704 = arith.addi %add3A_695, %xor3A_703 : vector<16xi32>
        %shift_left3A_705 = arith.constant 24 : i32
        %shift_left3A_706 = vector.broadcast %shift_left3A_705 : i32 to vector<16xi32>
        %shift_left3A_707 = arith.shli %xor3A_703, %shift_left3A_706 : vector<16xi32>
        %shift_right_logical3A_708 = arith.constant 8 : i32
        %shift_right_logical3A_709 = vector.broadcast %shift_right_logical3A_708 : i32 to vector<16xi32>
        %shift_right_logical3A_710 = arith.shrui %xor3A_703, %shift_right_logical3A_709 : vector<16xi32>
        %or3A_711 = arith.ori %shift_left3A_707, %shift_right_logical3A_710 : vector<16xi32>
        %xor3A_712 = arith.xori %or3A_711, %add3A_704 : vector<16xi32>
        %add3A_713 = arith.constant 466689008 : i32
        %add3A_714 = vector.broadcast %add3A_713 : i32 to vector<16xi32>
        %add3A_715 = arith.addi %add3A_704, %add3A_714 : vector<16xi32>
        %add3A_716 = arith.constant 2 : i32
        %add3A_717 = vector.broadcast %add3A_716 : i32 to vector<16xi32>
        %add3A_718 = arith.addi %xor3A_712, %add3A_717 : vector<16xi32>
        %add3A_719 = arith.addi %add3A_715, %add3A_718 : vector<16xi32>
        %shift_left3A_720 = arith.constant 13 : i32
        %shift_left3A_721 = vector.broadcast %shift_left3A_720 : i32 to vector<16xi32>
        %shift_left3A_722 = arith.shli %add3A_718, %shift_left3A_721 : vector<16xi32>
        %shift_right_logical3A_723 = arith.constant 19 : i32
        %shift_right_logical3A_724 = vector.broadcast %shift_right_logical3A_723 : i32 to vector<16xi32>
        %shift_right_logical3A_725 = arith.shrui %add3A_718, %shift_right_logical3A_724 : vector<16xi32>
        %or3A_726 = arith.ori %shift_left3A_722, %shift_right_logical3A_725 : vector<16xi32>
        %xor3A_727 = arith.xori %or3A_726, %add3A_719 : vector<16xi32>
        %add3A_728 = arith.addi %add3A_719, %xor3A_727 : vector<16xi32>
        %shift_left3A_729 = arith.constant 15 : i32
        %shift_left3A_730 = vector.broadcast %shift_left3A_729 : i32 to vector<16xi32>
        %shift_left3A_731 = arith.shli %xor3A_727, %shift_left3A_730 : vector<16xi32>
        %shift_right_logical3A_732 = arith.constant 17 : i32
        %shift_right_logical3A_733 = vector.broadcast %shift_right_logical3A_732 : i32 to vector<16xi32>
        %shift_right_logical3A_734 = arith.shrui %xor3A_727, %shift_right_logical3A_733 : vector<16xi32>
        %or3A_735 = arith.ori %shift_left3A_731, %shift_right_logical3A_734 : vector<16xi32>
        %xor3A_736 = arith.xori %or3A_735, %add3A_728 : vector<16xi32>
        %add3A_737 = arith.addi %add3A_728, %xor3A_736 : vector<16xi32>
        %shift_left3A_738 = arith.constant 26 : i32
        %shift_left3A_739 = vector.broadcast %shift_left3A_738 : i32 to vector<16xi32>
        %shift_left3A_740 = arith.shli %xor3A_736, %shift_left3A_739 : vector<16xi32>
        %shift_right_logical3A_741 = arith.constant 6 : i32
        %shift_right_logical3A_742 = vector.broadcast %shift_right_logical3A_741 : i32 to vector<16xi32>
        %shift_right_logical3A_743 = arith.shrui %xor3A_736, %shift_right_logical3A_742 : vector<16xi32>
        %or3A_744 = arith.ori %shift_left3A_740, %shift_right_logical3A_743 : vector<16xi32>
        %xor3A_745 = arith.xori %or3A_744, %add3A_737 : vector<16xi32>
        %add3A_746 = arith.addi %add3A_737, %xor3A_745 : vector<16xi32>
        %shift_left3A_747 = arith.constant 6 : i32
        %shift_left3A_748 = vector.broadcast %shift_left3A_747 : i32 to vector<16xi32>
        %shift_left3A_749 = arith.shli %xor3A_745, %shift_left3A_748 : vector<16xi32>
        %shift_right_logical3A_750 = arith.constant 26 : i32
        %shift_right_logical3A_751 = vector.broadcast %shift_right_logical3A_750 : i32 to vector<16xi32>
        %shift_right_logical3A_752 = arith.shrui %xor3A_745, %shift_right_logical3A_751 : vector<16xi32>
        %or3A_753 = arith.ori %shift_left3A_749, %shift_right_logical3A_752 : vector<16xi32>
        %xor3A_754 = arith.xori %or3A_753, %add3A_746 : vector<16xi32>
        %add3A_755 = arith.constant 0 : i32
        %add3A_756 = vector.broadcast %add3A_755 : i32 to vector<16xi32>
        %add3A_757 = arith.addi %add3A_746, %add3A_756 : vector<16xi32>
        %add3A_758 = arith.constant 45 : i32
        %add3A_759 = vector.broadcast %add3A_758 : i32 to vector<16xi32>
        %add3A_760 = arith.addi %xor3A_754, %add3A_759 : vector<16xi32>
        %add3A_761 = arith.addi %add3A_757, %add3A_760 : vector<16xi32>
        %shift_left3A_762 = arith.constant 17 : i32
        %shift_left3A_763 = vector.broadcast %shift_left3A_762 : i32 to vector<16xi32>
        %shift_left3A_764 = arith.shli %add3A_760, %shift_left3A_763 : vector<16xi32>
        %shift_right_logical3A_765 = arith.constant 15 : i32
        %shift_right_logical3A_766 = vector.broadcast %shift_right_logical3A_765 : i32 to vector<16xi32>
        %shift_right_logical3A_767 = arith.shrui %add3A_760, %shift_right_logical3A_766 : vector<16xi32>
        %or3A_768 = arith.ori %shift_left3A_764, %shift_right_logical3A_767 : vector<16xi32>
        %xor3A_769 = arith.xori %or3A_768, %add3A_761 : vector<16xi32>
        %add3A_770 = arith.addi %add3A_761, %xor3A_769 : vector<16xi32>
        %shift_left3A_771 = arith.constant 29 : i32
        %shift_left3A_772 = vector.broadcast %shift_left3A_771 : i32 to vector<16xi32>
        %shift_left3A_773 = arith.shli %xor3A_769, %shift_left3A_772 : vector<16xi32>
        %shift_right_logical3A_774 = arith.constant 3 : i32
        %shift_right_logical3A_775 = vector.broadcast %shift_right_logical3A_774 : i32 to vector<16xi32>
        %shift_right_logical3A_776 = arith.shrui %xor3A_769, %shift_right_logical3A_775 : vector<16xi32>
        %or3A_777 = arith.ori %shift_left3A_773, %shift_right_logical3A_776 : vector<16xi32>
        %xor3A_778 = arith.xori %or3A_777, %add3A_770 : vector<16xi32>
        %add3A_779 = arith.addi %add3A_770, %xor3A_778 : vector<16xi32>
        %shift_left3A_780 = arith.constant 16 : i32
        %shift_left3A_781 = vector.broadcast %shift_left3A_780 : i32 to vector<16xi32>
        %shift_left3A_782 = arith.shli %xor3A_778, %shift_left3A_781 : vector<16xi32>
        %shift_right_logical3A_783 = arith.constant 16 : i32
        %shift_right_logical3A_784 = vector.broadcast %shift_right_logical3A_783 : i32 to vector<16xi32>
        %shift_right_logical3A_785 = arith.shrui %xor3A_778, %shift_right_logical3A_784 : vector<16xi32>
        %or3A_786 = arith.ori %shift_left3A_782, %shift_right_logical3A_785 : vector<16xi32>
        %xor3A_787 = arith.xori %or3A_786, %add3A_779 : vector<16xi32>
        %add3A_788 = arith.addi %add3A_779, %xor3A_787 : vector<16xi32>
        %shift_left3A_789 = arith.constant 24 : i32
        %shift_left3A_790 = vector.broadcast %shift_left3A_789 : i32 to vector<16xi32>
        %shift_left3A_791 = arith.shli %xor3A_787, %shift_left3A_790 : vector<16xi32>
        %shift_right_logical3A_792 = arith.constant 8 : i32
        %shift_right_logical3A_793 = vector.broadcast %shift_right_logical3A_792 : i32 to vector<16xi32>
        %shift_right_logical3A_794 = arith.shrui %xor3A_787, %shift_right_logical3A_793 : vector<16xi32>
        %or3A_795 = arith.ori %shift_left3A_791, %shift_right_logical3A_794 : vector<16xi32>
        %xor3A_796 = arith.xori %or3A_795, %add3A_788 : vector<16xi32>
        %add3A_797 = arith.constant 42 : i32
        %add3A_798 = vector.broadcast %add3A_797 : i32 to vector<16xi32>
        %add3A_799 = arith.addi %add3A_788, %add3A_798 : vector<16xi32>
        %add3A_800 = arith.constant 466689012 : i32
        %add3A_801 = vector.broadcast %add3A_800 : i32 to vector<16xi32>
        %add3A_802 = arith.addi %xor3A_796, %add3A_801 : vector<16xi32>
        %add3A_803 = arith.addi %add3A_799, %add3A_802 : vector<16xi32>
        %shift_left3A_804 = arith.constant 13 : i32
        %shift_left3A_805 = vector.broadcast %shift_left3A_804 : i32 to vector<16xi32>
        %shift_left3A_806 = arith.shli %add3A_802, %shift_left3A_805 : vector<16xi32>
        %shift_right_logical3A_807 = arith.constant 19 : i32
        %shift_right_logical3A_808 = vector.broadcast %shift_right_logical3A_807 : i32 to vector<16xi32>
        %shift_right_logical3A_809 = arith.shrui %add3A_802, %shift_right_logical3A_808 : vector<16xi32>
        %or3A_810 = arith.ori %shift_left3A_806, %shift_right_logical3A_809 : vector<16xi32>
        %xor3A_811 = arith.xori %or3A_810, %add3A_803 : vector<16xi32>
        %add3A_812 = arith.addi %add3A_803, %xor3A_811 : vector<16xi32>
        %shift_left3A_813 = arith.constant 15 : i32
        %shift_left3A_814 = vector.broadcast %shift_left3A_813 : i32 to vector<16xi32>
        %shift_left3A_815 = arith.shli %xor3A_811, %shift_left3A_814 : vector<16xi32>
        %shift_right_logical3A_816 = arith.constant 17 : i32
        %shift_right_logical3A_817 = vector.broadcast %shift_right_logical3A_816 : i32 to vector<16xi32>
        %shift_right_logical3A_818 = arith.shrui %xor3A_811, %shift_right_logical3A_817 : vector<16xi32>
        %or3A_819 = arith.ori %shift_left3A_815, %shift_right_logical3A_818 : vector<16xi32>
        %xor3A_820 = arith.xori %or3A_819, %add3A_812 : vector<16xi32>
        %add3A_821 = arith.addi %add3A_812, %xor3A_820 : vector<16xi32>
        %shift_left3A_822 = arith.constant 26 : i32
        %shift_left3A_823 = vector.broadcast %shift_left3A_822 : i32 to vector<16xi32>
        %shift_left3A_824 = arith.shli %xor3A_820, %shift_left3A_823 : vector<16xi32>
        %shift_right_logical3A_825 = arith.constant 6 : i32
        %shift_right_logical3A_826 = vector.broadcast %shift_right_logical3A_825 : i32 to vector<16xi32>
        %shift_right_logical3A_827 = arith.shrui %xor3A_820, %shift_right_logical3A_826 : vector<16xi32>
        %or3A_828 = arith.ori %shift_left3A_824, %shift_right_logical3A_827 : vector<16xi32>
        %xor3A_829 = arith.xori %or3A_828, %add3A_821 : vector<16xi32>
        %add3A_830 = arith.addi %add3A_821, %xor3A_829 : vector<16xi32>
        %shift_left3A_831 = arith.constant 6 : i32
        %shift_left3A_832 = vector.broadcast %shift_left3A_831 : i32 to vector<16xi32>
        %shift_left3A_833 = arith.shli %xor3A_829, %shift_left3A_832 : vector<16xi32>
        %shift_right_logical3A_834 = arith.constant 26 : i32
        %shift_right_logical3A_835 = vector.broadcast %shift_right_logical3A_834 : i32 to vector<16xi32>
        %shift_right_logical3A_836 = arith.shrui %xor3A_829, %shift_right_logical3A_835 : vector<16xi32>
        %or3A_837 = arith.ori %shift_left3A_833, %shift_right_logical3A_836 : vector<16xi32>
        %xor3A_838 = arith.xori %or3A_837, %add3A_830 : vector<16xi32>
        %add3A_839 = arith.constant 466689008 : i32
        %add3A_840 = vector.broadcast %add3A_839 : i32 to vector<16xi32>
        %add3A_841 = arith.addi %add3A_830, %add3A_840 : vector<16xi32>
        %add3A_842 = arith.constant 5 : i32
        %add3A_843 = vector.broadcast %add3A_842 : i32 to vector<16xi32>
        %add3A_844 = arith.addi %xor3A_838, %add3A_843 : vector<16xi32>
        %xor3A_845 = arith.xori %add3A_841, %add3A_844 : vector<16xi32>
        %shift_right_logical3A_846 = arith.constant 9 : i32
        %shift_right_logical3A_847 = vector.broadcast %shift_right_logical3A_846 : i32 to vector<16xi32>
        %shift_right_logical3A_848 = arith.shrui %xor3A_845, %shift_right_logical3A_847 : vector<16xi32>
        %or3A_849 = arith.constant 1065353216 : i32
        %or3A_850 = vector.broadcast %or3A_849 : i32 to vector<16xi32>
        %or3A_851 = arith.ori %shift_right_logical3A_848, %or3A_850 : vector<16xi32>
        %bitcast_convert_type3A_852 = tpu.bitcast %or3A_851 : vector<16xi32> -> vector<16xf32>
        %sub3A_853 = arith.constant 1.000000e+00 : f32
        %sub3A_854 = vector.broadcast %sub3A_853 : f32 to vector<16xf32>
        %sub3A_855 = arith.subf %bitcast_convert_type3A_852, %sub3A_854 : vector<16xf32>
        %add3A_856 = arith.constant 1.17549435E-38 : f32
        %add3A_857 = vector.broadcast %add3A_856 : f32 to vector<16xf32>
        %add3A_858 = arith.addf %sub3A_855, %add3A_857 : vector<16xf32>
        %bitcast_convert_type3A_859 = tpu.bitcast %add3A_858 : vector<16xf32> -> vector<16xi32>
        %shift_right_arithmetic3A_860 = arith.constant 23 : i32
        %shift_right_arithmetic3A_861 = vector.broadcast %shift_right_arithmetic3A_860 : i32 to vector<16xi32>
        %shift_right_arithmetic3A_862 = arith.shrsi %bitcast_convert_type3A_859, %shift_right_arithmetic3A_861 : vector<16xi32>
        %sub3A_863 = arith.constant 127 : i32
        %sub3A_864 = vector.broadcast %sub3A_863 : i32 to vector<16xi32>
        %sub3A_865 = arith.subi %shift_right_arithmetic3A_862, %sub3A_864 : vector<16xi32>
        %and3A_866 = arith.constant 8388607 : i32
        %and3A_867 = vector.broadcast %and3A_866 : i32 to vector<16xi32>
        %and3A_868 = arith.andi %bitcast_convert_type3A_859, %and3A_867 : vector<16xi32>
        %or3A_869 = arith.constant 1065353216 : i32
        %or3A_870 = vector.broadcast %or3A_869 : i32 to vector<16xi32>
        %or3A_871 = arith.ori %and3A_868, %or3A_870 : vector<16xi32>
        %ge3A_872 = arith.constant 1068827891 : i32
        %ge3A_873 = vector.broadcast %ge3A_872 : i32 to vector<16xi32>
        %ge3A_874 = arith.cmpi sge, %or3A_871, %ge3A_873 : vector<16xi32>
        %sub3A_875 = arith.constant 8388608 : i32
        %sub3A_876 = vector.broadcast %sub3A_875 : i32 to vector<16xi32>
        %sub3A_877 = arith.subi %or3A_871, %sub3A_876 : vector<16xi32>
        %select_n3A_878 = arith.select %ge3A_874, %sub3A_877, %or3A_871 : vector<16xi1>, vector<16xi32>
        %add3A_879 = arith.constant 1 : i32
        %add3A_880 = vector.broadcast %add3A_879 : i32 to vector<16xi32>
        %add3A_881 = arith.addi %sub3A_865, %add3A_880 : vector<16xi32>
        %select_n3A_882 = arith.select %ge3A_874, %add3A_881, %sub3A_865 : vector<16xi1>, vector<16xi32>
        %bitcast_convert_type3A_883 = tpu.bitcast %select_n3A_878 : vector<16xi32> -> vector<16xf32>
        %sub3A_884 = arith.constant 1.000000e+00 : f32
        %sub3A_885 = vector.broadcast %sub3A_884 : f32 to vector<16xf32>
        %sub3A_886 = arith.subf %bitcast_convert_type3A_883, %sub3A_885 : vector<16xf32>
        %add3A_887 = arith.constant 1.000000e+00 : f32
        %add3A_888 = vector.broadcast %add3A_887 : f32 to vector<16xf32>
        %add3A_889 = arith.addf %bitcast_convert_type3A_883, %add3A_888 : vector<16xf32>
        %div3A_890 = arith.divf %sub3A_886, %add3A_889 : vector<16xf32>
        %mul3A_891 = arith.mulf %div3A_890, %div3A_890 : vector<16xf32>
        %mul3A_892 = arith.constant 0.222222224 : f32
        %mul3A_893 = vector.broadcast %mul3A_892 : f32 to vector<16xf32>
        %mul3A_894 = arith.mulf %mul3A_893, %mul3A_891 : vector<16xf32>
        %add3A_895 = arith.constant 0.285714298 : f32
        %add3A_896 = vector.broadcast %add3A_895 : f32 to vector<16xf32>
        %add3A_897 = arith.addf %mul3A_894, %add3A_896 : vector<16xf32>
        %mul3A_898 = arith.mulf %add3A_897, %mul3A_891 : vector<16xf32>
        %add3A_899 = arith.constant 4.000000e-01 : f32
        %add3A_900 = vector.broadcast %add3A_899 : f32 to vector<16xf32>
        %add3A_901 = arith.addf %mul3A_898, %add3A_900 : vector<16xf32>
        %mul3A_902 = arith.mulf %add3A_901, %mul3A_891 : vector<16xf32>
        %add3A_903 = arith.constant 0.666666686 : f32
        %add3A_904 = vector.broadcast %add3A_903 : f32 to vector<16xf32>
        %add3A_905 = arith.addf %mul3A_902, %add3A_904 : vector<16xf32>
        %mul3A_906 = arith.mulf %add3A_905, %mul3A_891 : vector<16xf32>
        %add3A_907 = arith.constant 2.000000e+00 : f32
        %add3A_908 = vector.broadcast %add3A_907 : f32 to vector<16xf32>
        %add3A_909 = arith.addf %mul3A_906, %add3A_908 : vector<16xf32>
        %convert_element_type3A_910 = arith.sitofp %select_n3A_882 : vector<16xi32> to vector<16xf32>
        %mul3A_911 = arith.constant 0.693147182 : f32
        %mul3A_912 = vector.broadcast %mul3A_911 : f32 to vector<16xf32>
        %mul3A_913 = arith.mulf %convert_element_type3A_910, %mul3A_912 : vector<16xf32>
        %mul3A_914 = arith.mulf %div3A_890, %add3A_909 : vector<16xf32>
        %add3A_915 = arith.addf %mul3A_913, %mul3A_914 : vector<16xf32>
        %neg3A_916 = arith.constant 0.000000e+00 : f32
        %neg3A_917 = vector.broadcast %neg3A_916 : f32 to vector<16xf32>
        %neg3A_918 = arith.subf %neg3A_917, %add3A_915 : vector<16xf32>
        %gather3A_919 = tpu.vector_load_idx %arg6[%iota3A, %broadcast_in_dim3A_632] : memref<16x1024xf32, #tpu.memory_space<vmem>>[vector<16xi32>, vector<16xi32>], vector<16xf32>,
        %neg3A_920 = arith.constant 0.000000e+00 : f32
        %neg3A_921 = vector.broadcast %neg3A_920 : f32 to vector<16xf32>
        %neg3A_922 = arith.subf %neg3A_921, %gather3A_919 : vector<16xf32>
        %exp3A_923 = math.exp %neg3A_922 : vector<16xf32>
        %mul3A_924 = arith.mulf %neg3A_918, %exp3A_923 : vector<16xf32>
        %lt3A_925 = arith.cmpf olt, %mul3A_924, %select_n3A_628 : vector<16xf32>
        %select_n3A_926 = arith.select %lt3A_925, %mul3A_924, %select_n3A_628 : vector<16xi1>, vector<16xf32>
        %select_n3A_927 = arith.select %lt3A_925, %broadcast_in_dim3A_632, %select_n3A_629 : vector<16xi1>, vector<16xi32>
        %scan3A_928 = arith.constant 3 : i32
        %scan3A_929 = arith.addi %scan3A_46, %scan3A_928 : i32
        %broadcast_in_dim3A_930 = vector.broadcast %scan3A_929 : i32 to vector<16xi32>
        %add3A_931 = arith.addi %add3A_27, %scan3A_929 : i32
        %add3A_932 = vector.broadcast %add3A_931 : i32 to vector<16xi32>
        %add3A_933 = arith.addi %mul3A_3, %add3A_932 : vector<16xi32>
        %shift_left3A_934 = arith.constant 13 : i32
        %shift_left3A_935 = vector.broadcast %shift_left3A_934 : i32 to vector<16xi32>
        %shift_left3A_936 = arith.shli %add3A_933, %shift_left3A_935 : vector<16xi32>
        %shift_right_logical3A_937 = arith.constant 19 : i32
        %shift_right_logical3A_938 = vector.broadcast %shift_right_logical3A_937 : i32 to vector<16xi32>
        %shift_right_logical3A_939 = arith.shrui %add3A_933, %shift_right_logical3A_938 : vector<16xi32>
        %or3A_940 = arith.ori %shift_left3A_936, %shift_right_logical3A_939 : vector<16xi32>
        %xor3A_941 = arith.xori %or3A_940, %add3A_933 : vector<16xi32>
        %add3A_942 = arith.addi %add3A_933, %xor3A_941 : vector<16xi32>
        %shift_left3A_943 = arith.constant 15 : i32
        %shift_left3A_944 = vector.broadcast %shift_left3A_943 : i32 to vector<16xi32>
        %shift_left3A_945 = arith.shli %xor3A_941, %shift_left3A_944 : vector<16xi32>
        %shift_right_logical3A_946 = arith.constant 17 : i32
        %shift_right_logical3A_947 = vector.broadcast %shift_right_logical3A_946 : i32 to vector<16xi32>
        %shift_right_logical3A_948 = arith.shrui %xor3A_941, %shift_right_logical3A_947 : vector<16xi32>
        %or3A_949 = arith.ori %shift_left3A_945, %shift_right_logical3A_948 : vector<16xi32>
        %xor3A_950 = arith.xori %or3A_949, %add3A_942 : vector<16xi32>
        %add3A_951 = arith.addi %add3A_942, %xor3A_950 : vector<16xi32>
        %shift_left3A_952 = arith.constant 26 : i32
        %shift_left3A_953 = vector.broadcast %shift_left3A_952 : i32 to vector<16xi32>
        %shift_left3A_954 = arith.shli %xor3A_950, %shift_left3A_953 : vector<16xi32>
        %shift_right_logical3A_955 = arith.constant 6 : i32
        %shift_right_logical3A_956 = vector.broadcast %shift_right_logical3A_955 : i32 to vector<16xi32>
        %shift_right_logical3A_957 = arith.shrui %xor3A_950, %shift_right_logical3A_956 : vector<16xi32>
        %or3A_958 = arith.ori %shift_left3A_954, %shift_right_logical3A_957 : vector<16xi32>
        %xor3A_959 = arith.xori %or3A_958, %add3A_951 : vector<16xi32>
        %add3A_960 = arith.addi %add3A_951, %xor3A_959 : vector<16xi32>
        %shift_left3A_961 = arith.constant 6 : i32
        %shift_left3A_962 = vector.broadcast %shift_left3A_961 : i32 to vector<16xi32>
        %shift_left3A_963 = arith.shli %xor3A_959, %shift_left3A_962 : vector<16xi32>
        %shift_right_logical3A_964 = arith.constant 26 : i32
        %shift_right_logical3A_965 = vector.broadcast %shift_right_logical3A_964 : i32 to vector<16xi32>
        %shift_right_logical3A_966 = arith.shrui %xor3A_959, %shift_right_logical3A_965 : vector<16xi32>
        %or3A_967 = arith.ori %shift_left3A_963, %shift_right_logical3A_966 : vector<16xi32>
        %xor3A_968 = arith.xori %or3A_967, %add3A_960 : vector<16xi32>
        %add3A_969 = arith.constant 42 : i32
        %add3A_970 = vector.broadcast %add3A_969 : i32 to vector<16xi32>
        %add3A_971 = arith.addi %add3A_960, %add3A_970 : vector<16xi32>
        %add3A_972 = arith.constant 466689009 : i32
        %add3A_973 = vector.broadcast %add3A_972 : i32 to vector<16xi32>
        %add3A_974 = arith.addi %xor3A_968, %add3A_973 : vector<16xi32>
        %add3A_975 = arith.addi %add3A_971, %add3A_974 : vector<16xi32>
        %shift_left3A_976 = arith.constant 17 : i32
        %shift_left3A_977 = vector.broadcast %shift_left3A_976 : i32 to vector<16xi32>
        %shift_left3A_978 = arith.shli %add3A_974, %shift_left3A_977 : vector<16xi32>
        %shift_right_logical3A_979 = arith.constant 15 : i32
        %shift_right_logical3A_980 = vector.broadcast %shift_right_logical3A_979 : i32 to vector<16xi32>
        %shift_right_logical3A_981 = arith.shrui %add3A_974, %shift_right_logical3A_980 : vector<16xi32>
        %or3A_982 = arith.ori %shift_left3A_978, %shift_right_logical3A_981 : vector<16xi32>
        %xor3A_983 = arith.xori %or3A_982, %add3A_975 : vector<16xi32>
        %add3A_984 = arith.addi %add3A_975, %xor3A_983 : vector<16xi32>
        %shift_left3A_985 = arith.constant 29 : i32
        %shift_left3A_986 = vector.broadcast %shift_left3A_985 : i32 to vector<16xi32>
        %shift_left3A_987 = arith.shli %xor3A_983, %shift_left3A_986 : vector<16xi32>
        %shift_right_logical3A_988 = arith.constant 3 : i32
        %shift_right_logical3A_989 = vector.broadcast %shift_right_logical3A_988 : i32 to vector<16xi32>
        %shift_right_logical3A_990 = arith.shrui %xor3A_983, %shift_right_logical3A_989 : vector<16xi32>
        %or3A_991 = arith.ori %shift_left3A_987, %shift_right_logical3A_990 : vector<16xi32>
        %xor3A_992 = arith.xori %or3A_991, %add3A_984 : vector<16xi32>
        %add3A_993 = arith.addi %add3A_984, %xor3A_992 : vector<16xi32>
        %shift_left3A_994 = arith.constant 16 : i32
        %shift_left3A_995 = vector.broadcast %shift_left3A_994 : i32 to vector<16xi32>
        %shift_left3A_996 = arith.shli %xor3A_992, %shift_left3A_995 : vector<16xi32>
        %shift_right_logical3A_997 = arith.constant 16 : i32
        %shift_right_logical3A_998 = vector.broadcast %shift_right_logical3A_997 : i32 to vector<16xi32>
        %shift_right_logical3A_999 = arith.shrui %xor3A_992, %shift_right_logical3A_998 : vector<16xi32>
        %or3A_1000 = arith.ori %shift_left3A_996, %shift_right_logical3A_999 : vector<16xi32>
        %xor3A_1001 = arith.xori %or3A_1000, %add3A_993 : vector<16xi32>
        %add3A_1002 = arith.addi %add3A_993, %xor3A_1001 : vector<16xi32>
        %shift_left3A_1003 = arith.constant 24 : i32
        %shift_left3A_1004 = vector.broadcast %shift_left3A_1003 : i32 to vector<16xi32>
        %shift_left3A_1005 = arith.shli %xor3A_1001, %shift_left3A_1004 : vector<16xi32>
        %shift_right_logical3A_1006 = arith.constant 8 : i32
        %shift_right_logical3A_1007 = vector.broadcast %shift_right_logical3A_1006 : i32 to vector<16xi32>
        %shift_right_logical3A_1008 = arith.shrui %xor3A_1001, %shift_right_logical3A_1007 : vector<16xi32>
        %or3A_1009 = arith.ori %shift_left3A_1005, %shift_right_logical3A_1008 : vector<16xi32>
        %xor3A_1010 = arith.xori %or3A_1009, %add3A_1002 : vector<16xi32>
        %add3A_1011 = arith.constant 466689008 : i32
        %add3A_1012 = vector.broadcast %add3A_1011 : i32 to vector<16xi32>
        %add3A_1013 = arith.addi %add3A_1002, %add3A_1012 : vector<16xi32>
        %add3A_1014 = arith.constant 2 : i32
        %add3A_1015 = vector.broadcast %add3A_1014 : i32 to vector<16xi32>
        %add3A_1016 = arith.addi %xor3A_1010, %add3A_1015 : vector<16xi32>
        %add3A_1017 = arith.addi %add3A_1013, %add3A_1016 : vector<16xi32>
        %shift_left3A_1018 = arith.constant 13 : i32
        %shift_left3A_1019 = vector.broadcast %shift_left3A_1018 : i32 to vector<16xi32>
        %shift_left3A_1020 = arith.shli %add3A_1016, %shift_left3A_1019 : vector<16xi32>
        %shift_right_logical3A_1021 = arith.constant 19 : i32
        %shift_right_logical3A_1022 = vector.broadcast %shift_right_logical3A_1021 : i32 to vector<16xi32>
        %shift_right_logical3A_1023 = arith.shrui %add3A_1016, %shift_right_logical3A_1022 : vector<16xi32>
        %or3A_1024 = arith.ori %shift_left3A_1020, %shift_right_logical3A_1023 : vector<16xi32>
        %xor3A_1025 = arith.xori %or3A_1024, %add3A_1017 : vector<16xi32>
        %add3A_1026 = arith.addi %add3A_1017, %xor3A_1025 : vector<16xi32>
        %shift_left3A_1027 = arith.constant 15 : i32
        %shift_left3A_1028 = vector.broadcast %shift_left3A_1027 : i32 to vector<16xi32>
        %shift_left3A_1029 = arith.shli %xor3A_1025, %shift_left3A_1028 : vector<16xi32>
        %shift_right_logical3A_1030 = arith.constant 17 : i32
        %shift_right_logical3A_1031 = vector.broadcast %shift_right_logical3A_1030 : i32 to vector<16xi32>
        %shift_right_logical3A_1032 = arith.shrui %xor3A_1025, %shift_right_logical3A_1031 : vector<16xi32>
        %or3A_1033 = arith.ori %shift_left3A_1029, %shift_right_logical3A_1032 : vector<16xi32>
        %xor3A_1034 = arith.xori %or3A_1033, %add3A_1026 : vector<16xi32>
        %add3A_1035 = arith.addi %add3A_1026, %xor3A_1034 : vector<16xi32>
        %shift_left3A_1036 = arith.constant 26 : i32
        %shift_left3A_1037 = vector.broadcast %shift_left3A_1036 : i32 to vector<16xi32>
        %shift_left3A_1038 = arith.shli %xor3A_1034, %shift_left3A_1037 : vector<16xi32>
        %shift_right_logical3A_1039 = arith.constant 6 : i32
        %shift_right_logical3A_1040 = vector.broadcast %shift_right_logical3A_1039 : i32 to vector<16xi32>
        %shift_right_logical3A_1041 = arith.shrui %xor3A_1034, %shift_right_logical3A_1040 : vector<16xi32>
        %or3A_1042 = arith.ori %shift_left3A_1038, %shift_right_logical3A_1041 : vector<16xi32>
        %xor3A_1043 = arith.xori %or3A_1042, %add3A_1035 : vector<16xi32>
        %add3A_1044 = arith.addi %add3A_1035, %xor3A_1043 : vector<16xi32>
        %shift_left3A_1045 = arith.constant 6 : i32
        %shift_left3A_1046 = vector.broadcast %shift_left3A_1045 : i32 to vector<16xi32>
        %shift_left3A_1047 = arith.shli %xor3A_1043, %shift_left3A_1046 : vector<16xi32>
        %shift_right_logical3A_1048 = arith.constant 26 : i32
        %shift_right_logical3A_1049 = vector.broadcast %shift_right_logical3A_1048 : i32 to vector<16xi32>
        %shift_right_logical3A_1050 = arith.shrui %xor3A_1043, %shift_right_logical3A_1049 : vector<16xi32>
        %or3A_1051 = arith.ori %shift_left3A_1047, %shift_right_logical3A_1050 : vector<16xi32>
        %xor3A_1052 = arith.xori %or3A_1051, %add3A_1044 : vector<16xi32>
        %add3A_1053 = arith.constant 0 : i32
        %add3A_1054 = vector.broadcast %add3A_1053 : i32 to vector<16xi32>
        %add3A_1055 = arith.addi %add3A_1044, %add3A_1054 : vector<16xi32>
        %add3A_1056 = arith.constant 45 : i32
        %add3A_1057 = vector.broadcast %add3A_1056 : i32 to vector<16xi32>
        %add3A_1058 = arith.addi %xor3A_1052, %add3A_1057 : vector<16xi32>
        %add3A_1059 = arith.addi %add3A_1055, %add3A_1058 : vector<16xi32>
        %shift_left3A_1060 = arith.constant 17 : i32
        %shift_left3A_1061 = vector.broadcast %shift_left3A_1060 : i32 to vector<16xi32>
        %shift_left3A_1062 = arith.shli %add3A_1058, %shift_left3A_1061 : vector<16xi32>
        %shift_right_logical3A_1063 = arith.constant 15 : i32
        %shift_right_logical3A_1064 = vector.broadcast %shift_right_logical3A_1063 : i32 to vector<16xi32>
        %shift_right_logical3A_1065 = arith.shrui %add3A_1058, %shift_right_logical3A_1064 : vector<16xi32>
        %or3A_1066 = arith.ori %shift_left3A_1062, %shift_right_logical3A_1065 : vector<16xi32>
        %xor3A_1067 = arith.xori %or3A_1066, %add3A_1059 : vector<16xi32>
        %add3A_1068 = arith.addi %add3A_1059, %xor3A_1067 : vector<16xi32>
        %shift_left3A_1069 = arith.constant 29 : i32
        %shift_left3A_1070 = vector.broadcast %shift_left3A_1069 : i32 to vector<16xi32>
        %shift_left3A_1071 = arith.shli %xor3A_1067, %shift_left3A_1070 : vector<16xi32>
        %shift_right_logical3A_1072 = arith.constant 3 : i32
        %shift_right_logical3A_1073 = vector.broadcast %shift_right_logical3A_1072 : i32 to vector<16xi32>
        %shift_right_logical3A_1074 = arith.shrui %xor3A_1067, %shift_right_logical3A_1073 : vector<16xi32>
        %or3A_1075 = arith.ori %shift_left3A_1071, %shift_right_logical3A_1074 : vector<16xi32>
        %xor3A_1076 = arith.xori %or3A_1075, %add3A_1068 : vector<16xi32>
        %add3A_1077 = arith.addi %add3A_1068, %xor3A_1076 : vector<16xi32>
        %shift_left3A_1078 = arith.constant 16 : i32
        %shift_left3A_1079 = vector.broadcast %shift_left3A_1078 : i32 to vector<16xi32>
        %shift_left3A_1080 = arith.shli %xor3A_1076, %shift_left3A_1079 : vector<16xi32>
        %shift_right_logical3A_1081 = arith.constant 16 : i32
        %shift_right_logical3A_1082 = vector.broadcast %shift_right_logical3A_1081 : i32 to vector<16xi32>
        %shift_right_logical3A_1083 = arith.shrui %xor3A_1076, %shift_right_logical3A_1082 : vector<16xi32>
        %or3A_1084 = arith.ori %shift_left3A_1080, %shift_right_logical3A_1083 : vector<16xi32>
        %xor3A_1085 = arith.xori %or3A_1084, %add3A_1077 : vector<16xi32>
        %add3A_1086 = arith.addi %add3A_1077, %xor3A_1085 : vector<16xi32>
        %shift_left3A_1087 = arith.constant 24 : i32
        %shift_left3A_1088 = vector.broadcast %shift_left3A_1087 : i32 to vector<16xi32>
        %shift_left3A_1089 = arith.shli %xor3A_1085, %shift_left3A_1088 : vector<16xi32>
        %shift_right_logical3A_1090 = arith.constant 8 : i32
        %shift_right_logical3A_1091 = vector.broadcast %shift_right_logical3A_1090 : i32 to vector<16xi32>
        %shift_right_logical3A_1092 = arith.shrui %xor3A_1085, %shift_right_logical3A_1091 : vector<16xi32>
        %or3A_1093 = arith.ori %shift_left3A_1089, %shift_right_logical3A_1092 : vector<16xi32>
        %xor3A_1094 = arith.xori %or3A_1093, %add3A_1086 : vector<16xi32>
        %add3A_1095 = arith.constant 42 : i32
        %add3A_1096 = vector.broadcast %add3A_1095 : i32 to vector<16xi32>
        %add3A_1097 = arith.addi %add3A_1086, %add3A_1096 : vector<16xi32>
        %add3A_1098 = arith.constant 466689012 : i32
        %add3A_1099 = vector.broadcast %add3A_1098 : i32 to vector<16xi32>
        %add3A_1100 = arith.addi %xor3A_1094, %add3A_1099 : vector<16xi32>
        %add3A_1101 = arith.addi %add3A_1097, %add3A_1100 : vector<16xi32>
        %shift_left3A_1102 = arith.constant 13 : i32
        %shift_left3A_1103 = vector.broadcast %shift_left3A_1102 : i32 to vector<16xi32>
        %shift_left3A_1104 = arith.shli %add3A_1100, %shift_left3A_1103 : vector<16xi32>
        %shift_right_logical3A_1105 = arith.constant 19 : i32
        %shift_right_logical3A_1106 = vector.broadcast %shift_right_logical3A_1105 : i32 to vector<16xi32>
        %shift_right_logical3A_1107 = arith.shrui %add3A_1100, %shift_right_logical3A_1106 : vector<16xi32>
        %or3A_1108 = arith.ori %shift_left3A_1104, %shift_right_logical3A_1107 : vector<16xi32>
        %xor3A_1109 = arith.xori %or3A_1108, %add3A_1101 : vector<16xi32>
        %add3A_1110 = arith.addi %add3A_1101, %xor3A_1109 : vector<16xi32>
        %shift_left3A_1111 = arith.constant 15 : i32
        %shift_left3A_1112 = vector.broadcast %shift_left3A_1111 : i32 to vector<16xi32>
        %shift_left3A_1113 = arith.shli %xor3A_1109, %shift_left3A_1112 : vector<16xi32>
        %shift_right_logical3A_1114 = arith.constant 17 : i32
        %shift_right_logical3A_1115 = vector.broadcast %shift_right_logical3A_1114 : i32 to vector<16xi32>
        %shift_right_logical3A_1116 = arith.shrui %xor3A_1109, %shift_right_logical3A_1115 : vector<16xi32>
        %or3A_1117 = arith.ori %shift_left3A_1113, %shift_right_logical3A_1116 : vector<16xi32>
        %xor3A_1118 = arith.xori %or3A_1117, %add3A_1110 : vector<16xi32>
        %add3A_1119 = arith.addi %add3A_1110, %xor3A_1118 : vector<16xi32>
        %shift_left3A_1120 = arith.constant 26 : i32
        %shift_left3A_1121 = vector.broadcast %shift_left3A_1120 : i32 to vector<16xi32>
        %shift_left3A_1122 = arith.shli %xor3A_1118, %shift_left3A_1121 : vector<16xi32>
        %shift_right_logical3A_1123 = arith.constant 6 : i32
        %shift_right_logical3A_1124 = vector.broadcast %shift_right_logical3A_1123 : i32 to vector<16xi32>
        %shift_right_logical3A_1125 = arith.shrui %xor3A_1118, %shift_right_logical3A_1124 : vector<16xi32>
        %or3A_1126 = arith.ori %shift_left3A_1122, %shift_right_logical3A_1125 : vector<16xi32>
        %xor3A_1127 = arith.xori %or3A_1126, %add3A_1119 : vector<16xi32>
        %add3A_1128 = arith.addi %add3A_1119, %xor3A_1127 : vector<16xi32>
        %shift_left3A_1129 = arith.constant 6 : i32
        %shift_left3A_1130 = vector.broadcast %shift_left3A_1129 : i32 to vector<16xi32>
        %shift_left3A_1131 = arith.shli %xor3A_1127, %shift_left3A_1130 : vector<16xi32>
        %shift_right_logical3A_1132 = arith.constant 26 : i32
        %shift_right_logical3A_1133 = vector.broadcast %shift_right_logical3A_1132 : i32 to vector<16xi32>
        %shift_right_logical3A_1134 = arith.shrui %xor3A_1127, %shift_right_logical3A_1133 : vector<16xi32>
        %or3A_1135 = arith.ori %shift_left3A_1131, %shift_right_logical3A_1134 : vector<16xi32>
        %xor3A_1136 = arith.xori %or3A_1135, %add3A_1128 : vector<16xi32>
        %add3A_1137 = arith.constant 466689008 : i32
        %add3A_1138 = vector.broadcast %add3A_1137 : i32 to vector<16xi32>
        %add3A_1139 = arith.addi %add3A_1128, %add3A_1138 : vector<16xi32>
        %add3A_1140 = arith.constant 5 : i32
        %add3A_1141 = vector.broadcast %add3A_1140 : i32 to vector<16xi32>
        %add3A_1142 = arith.addi %xor3A_1136, %add3A_1141 : vector<16xi32>
        %xor3A_1143 = arith.xori %add3A_1139, %add3A_1142 : vector<16xi32>
        %shift_right_logical3A_1144 = arith.constant 9 : i32
        %shift_right_logical3A_1145 = vector.broadcast %shift_right_logical3A_1144 : i32 to vector<16xi32>
        %shift_right_logical3A_1146 = arith.shrui %xor3A_1143, %shift_right_logical3A_1145 : vector<16xi32>
        %or3A_1147 = arith.constant 1065353216 : i32
        %or3A_1148 = vector.broadcast %or3A_1147 : i32 to vector<16xi32>
        %or3A_1149 = arith.ori %shift_right_logical3A_1146, %or3A_1148 : vector<16xi32>
        %bitcast_convert_type3A_1150 = tpu.bitcast %or3A_1149 : vector<16xi32> -> vector<16xf32>
        %sub3A_1151 = arith.constant 1.000000e+00 : f32
        %sub3A_1152 = vector.broadcast %sub3A_1151 : f32 to vector<16xf32>
        %sub3A_1153 = arith.subf %bitcast_convert_type3A_1150, %sub3A_1152 : vector<16xf32>
        %add3A_1154 = arith.constant 1.17549435E-38 : f32
        %add3A_1155 = vector.broadcast %add3A_1154 : f32 to vector<16xf32>
        %add3A_1156 = arith.addf %sub3A_1153, %add3A_1155 : vector<16xf32>
        %bitcast_convert_type3A_1157 = tpu.bitcast %add3A_1156 : vector<16xf32> -> vector<16xi32>
        %shift_right_arithmetic3A_1158 = arith.constant 23 : i32
        %shift_right_arithmetic3A_1159 = vector.broadcast %shift_right_arithmetic3A_1158 : i32 to vector<16xi32>
        %shift_right_arithmetic3A_1160 = arith.shrsi %bitcast_convert_type3A_1157, %shift_right_arithmetic3A_1159 : vector<16xi32>
        %sub3A_1161 = arith.constant 127 : i32
        %sub3A_1162 = vector.broadcast %sub3A_1161 : i32 to vector<16xi32>
        %sub3A_1163 = arith.subi %shift_right_arithmetic3A_1160, %sub3A_1162 : vector<16xi32>
        %and3A_1164 = arith.constant 8388607 : i32
        %and3A_1165 = vector.broadcast %and3A_1164 : i32 to vector<16xi32>
        %and3A_1166 = arith.andi %bitcast_convert_type3A_1157, %and3A_1165 : vector<16xi32>
        %or3A_1167 = arith.constant 1065353216 : i32
        %or3A_1168 = vector.broadcast %or3A_1167 : i32 to vector<16xi32>
        %or3A_1169 = arith.ori %and3A_1166, %or3A_1168 : vector<16xi32>
        %ge3A_1170 = arith.constant 1068827891 : i32
        %ge3A_1171 = vector.broadcast %ge3A_1170 : i32 to vector<16xi32>
        %ge3A_1172 = arith.cmpi sge, %or3A_1169, %ge3A_1171 : vector<16xi32>
        %sub3A_1173 = arith.constant 8388608 : i32
        %sub3A_1174 = vector.broadcast %sub3A_1173 : i32 to vector<16xi32>
        %sub3A_1175 = arith.subi %or3A_1169, %sub3A_1174 : vector<16xi32>
        %select_n3A_1176 = arith.select %ge3A_1172, %sub3A_1175, %or3A_1169 : vector<16xi1>, vector<16xi32>
        %add3A_1177 = arith.constant 1 : i32
        %add3A_1178 = vector.broadcast %add3A_1177 : i32 to vector<16xi32>
        %add3A_1179 = arith.addi %sub3A_1163, %add3A_1178 : vector<16xi32>
        %select_n3A_1180 = arith.select %ge3A_1172, %add3A_1179, %sub3A_1163 : vector<16xi1>, vector<16xi32>
        %bitcast_convert_type3A_1181 = tpu.bitcast %select_n3A_1176 : vector<16xi32> -> vector<16xf32>
        %sub3A_1182 = arith.constant 1.000000e+00 : f32
        %sub3A_1183 = vector.broadcast %sub3A_1182 : f32 to vector<16xf32>
        %sub3A_1184 = arith.subf %bitcast_convert_type3A_1181, %sub3A_1183 : vector<16xf32>
        %add3A_1185 = arith.constant 1.000000e+00 : f32
        %add3A_1186 = vector.broadcast %add3A_1185 : f32 to vector<16xf32>
        %add3A_1187 = arith.addf %bitcast_convert_type3A_1181, %add3A_1186 : vector<16xf32>
        %div3A_1188 = arith.divf %sub3A_1184, %add3A_1187 : vector<16xf32>
        %mul3A_1189 = arith.mulf %div3A_1188, %div3A_1188 : vector<16xf32>
        %mul3A_1190 = arith.constant 0.222222224 : f32
        %mul3A_1191 = vector.broadcast %mul3A_1190 : f32 to vector<16xf32>
        %mul3A_1192 = arith.mulf %mul3A_1191, %mul3A_1189 : vector<16xf32>
        %add3A_1193 = arith.constant 0.285714298 : f32
        %add3A_1194 = vector.broadcast %add3A_1193 : f32 to vector<16xf32>
        %add3A_1195 = arith.addf %mul3A_1192, %add3A_1194 : vector<16xf32>
        %mul3A_1196 = arith.mulf %add3A_1195, %mul3A_1189 : vector<16xf32>
        %add3A_1197 = arith.constant 4.000000e-01 : f32
        %add3A_1198 = vector.broadcast %add3A_1197 : f32 to vector<16xf32>
        %add3A_1199 = arith.addf %mul3A_1196, %add3A_1198 : vector<16xf32>
        %mul3A_1200 = arith.mulf %add3A_1199, %mul3A_1189 : vector<16xf32>
        %add3A_1201 = arith.constant 0.666666686 : f32
        %add3A_1202 = vector.broadcast %add3A_1201 : f32 to vector<16xf32>
        %add3A_1203 = arith.addf %mul3A_1200, %add3A_1202 : vector<16xf32>
        %mul3A_1204 = arith.mulf %add3A_1203, %mul3A_1189 : vector<16xf32>
        %add3A_1205 = arith.constant 2.000000e+00 : f32
        %add3A_1206 = vector.broadcast %add3A_1205 : f32 to vector<16xf32>
        %add3A_1207 = arith.addf %mul3A_1204, %add3A_1206 : vector<16xf32>
        %convert_element_type3A_1208 = arith.sitofp %select_n3A_1180 : vector<16xi32> to vector<16xf32>
        %mul3A_1209 = arith.constant 0.693147182 : f32
        %mul3A_1210 = vector.broadcast %mul3A_1209 : f32 to vector<16xf32>
        %mul3A_1211 = arith.mulf %convert_element_type3A_1208, %mul3A_1210 : vector<16xf32>
        %mul3A_1212 = arith.mulf %div3A_1188, %add3A_1207 : vector<16xf32>
        %add3A_1213 = arith.addf %mul3A_1211, %mul3A_1212 : vector<16xf32>
        %neg3A_1214 = arith.constant 0.000000e+00 : f32
        %neg3A_1215 = vector.broadcast %neg3A_1214 : f32 to vector<16xf32>
        %neg3A_1216 = arith.subf %neg3A_1215, %add3A_1213 : vector<16xf32>
        %gather3A_1217 = tpu.vector_load_idx %arg6[%iota3A, %broadcast_in_dim3A_930] : memref<16x1024xf32, #tpu.memory_space<vmem>>[vector<16xi32>, vector<16xi32>], vector<16xf32>,
        %neg3A_1218 = arith.constant 0.000000e+00 : f32
        %neg3A_1219 = vector.broadcast %neg3A_1218 : f32 to vector<16xf32>
        %neg3A_1220 = arith.subf %neg3A_1219, %gather3A_1217 : vector<16xf32>
        %exp3A_1221 = math.exp %neg3A_1220 : vector<16xf32>
        %mul3A_1222 = arith.mulf %neg3A_1216, %exp3A_1221 : vector<16xf32>
        %lt3A_1223 = arith.cmpf olt, %mul3A_1222, %select_n3A_926 : vector<16xf32>
        %select_n3A_1224 = arith.select %lt3A_1223, %mul3A_1222, %select_n3A_926 : vector<16xi1>, vector<16xf32>
        %select_n3A_1225 = arith.select %lt3A_1223, %broadcast_in_dim3A_930, %select_n3A_927 : vector<16xi1>, vector<16xi32>
        scf.yield %select_n3A_1224, %select_n3A_1225 : vector<16xf32>, vector<16xi32>
      }
      %scan3A_33 = arith.constant 1024 : i32
      %shift_right_arithmetic3A = arith.constant 1 : i32
      %shift_right_arithmetic3A_34 = vector.broadcast %shift_right_arithmetic3A : i32 to vector<16xi32>
      %shift_right_arithmetic3A_35 = arith.shrsi %scan3A_32#1, %shift_right_arithmetic3A_34 : vector<16xi32>
      %and3A = arith.constant 1 : i32
      %and3A_36 = vector.broadcast %and3A : i32 to vector<16xi32>
      %and3A_37 = arith.andi %scan3A_32#1, %and3A_36 : vector<16xi32>
      %shift_left3A = arith.constant 6 : i32
      %shift_left3A_38 = vector.broadcast %shift_left3A : i32 to vector<16xi32>
      %shift_left3A_39 = arith.shli %and3A_37, %shift_left3A_38 : vector<16xi32>
      %scan3A_40 = arith.constant 0 : i32
      %scan3A_41 = arith.constant 64 : i32
      %scan3A_42 = arith.addi %scan3A_40, %scan3A_41 : i32
      %scan3A_43 = arith.constant 1 : i32
      %scan3A_44 = scf.for %scan3A_46 = %scan3A_40 to %scan3A_42 step %scan3A_43 iter_args(%scan3A_47 = %scan3A_16) -> (vector<16xf32>)  : i32 {
        %broadcast_in_dim3A_48 = vector.broadcast %scan3A_46 : i32 to vector<16xi32>
        %gather3A = tpu.vector_load_idx %arg7[%iota3A, %broadcast_in_dim3A_48] : memref<16x64xf32, #tpu.memory_space<vmem>>[vector<16xi32>, vector<16xi32>], vector<16xf32>,
        %add3A_49 = arith.addi %shift_left3A_39, %broadcast_in_dim3A_48 : vector<16xi32>
        %gather3A_50 = tpu.vector_load_idx %arg8[%shift_right_arithmetic3A_35, %add3A_49] : memref<512x128xf32, #tpu.memory_space<vmem>>[vector<16xi32>, vector<16xi32>], vector<16xf32>,
        %sub3A = arith.subf %gather3A, %gather3A_50 : vector<16xf32>
        %mul3A_51 = arith.mulf %sub3A, %sub3A : vector<16xf32>
        %add3A_52 = arith.addf %scan3A_47, %mul3A_51 : vector<16xf32>
        scf.yield %add3A_52 : vector<16xf32>
      }
      %scan3A_45 = arith.constant 64 : i32
      scf.yield %scan3A_44 : vector<16xf32>
    }
    %scan3A_13 = arith.constant 6 : i32
    %swap3A = arith.constant 0 : index
    %swap3A_14 = tpu.vector_load %arg9[%swap3A] {strides = array<i32>} : memref<16xf32, #tpu.memory_space<vmem>>, vector<16xf32>,
    tpu.vector_store %arg9[%swap3A], %scan3A_12 {strides = array<i32>} : memref<16xf32, #tpu.memory_space<vmem>>, vector<16xf32>,
    "tpu.region"() ({
      %run_scoped3A = tpu.sem_alloc : memref<!tpu.dma_semaphore, #tpu.memory_space<semaphore_mem>>
      %dma_start3A = arith.constant 0 : i32
      %dma_start3A_15 = tpu.memref_slice %arg5[%add3A, %dma_start3A] : memref<32x16xf32, #tpu.memory_space<hbm>> -> memref<1x16xf32, #tpu.memory_space<hbm>>
      %dma_start3A_16 = tpu.memref_squeeze %dma_start3A_15 : memref<1x16xf32, #tpu.memory_space<hbm>> -> memref<16xf32, #tpu.memory_space<hbm>>
      %dma_start3A_17 = arith.constant 0 : i32
      %dma_start3A_18 = tpu.memref_slice %arg5[%add3A, %dma_start3A_17] : memref<32x16xf32, #tpu.memory_space<hbm>> -> memref<1x16xf32, #tpu.memory_space<hbm>>
      %dma_start3A_19 = tpu.memref_squeeze %dma_start3A_18 : memref<1x16xf32, #tpu.memory_space<hbm>> -> memref<16xf32, #tpu.memory_space<hbm>>
      tpu.enqueue_dma source(%arg9 : memref<16xf32, #tpu.memory_space<vmem>>) target(%dma_start3A_19 : memref<16xf32, #tpu.memory_space<hbm>>) target_semaphore(%run_scoped3A : memref<!tpu.dma_semaphore, #tpu.memory_space<semaphore_mem>>)
      %dma_wait3A = arith.constant 0 : i32
      %dma_wait3A_20 = tpu.memref_slice %arg5[%add3A, %dma_wait3A] : memref<32x16xf32, #tpu.memory_space<hbm>> -> memref<1x16xf32, #tpu.memory_space<hbm>>
      %dma_wait3A_21 = tpu.memref_squeeze %dma_wait3A_20 : memref<1x16xf32, #tpu.memory_space<hbm>> -> memref<16xf32, #tpu.memory_space<hbm>>
      %dma_wait3A_22 = arith.constant 0 : i32
      %dma_wait3A_23 = tpu.memref_slice %arg5[%add3A, %dma_wait3A_22] : memref<32x16xf32, #tpu.memory_space<hbm>> -> memref<1x16xf32, #tpu.memory_space<hbm>>
      %dma_wait3A_24 = tpu.memref_squeeze %dma_wait3A_23 : memref<1x16xf32, #tpu.memory_space<hbm>> -> memref<16xf32, #tpu.memory_space<hbm>>
      tpu.wait_dma2 semaphore(%run_scoped3A : memref<!tpu.dma_semaphore, #tpu.memory_space<semaphore_mem>>) src(%arg9 : memref<16xf32, #tpu.memory_space<vmem>>) dst(%dma_wait3A_24 : memref<16xf32, #tpu.memory_space<hbm>>)
      tpu.yield
    }) : () -> ()
    return
  }
}

module attributes {stable_mosaic.version = 14 : i64} {
  func.func @_tc_kernel(%arg0: i32, %arg1: memref<1024x1024xf32, #tpu.memory_space<vmem>>, %arg2: memref<1024x64xf32, #tpu.memory_space<vmem>>, %arg3: memref<1024x64xf32, #tpu.memory_space<vmem>>, %arg4: memref<1x1xf32, #tpu.memory_space<smem>>) attributes {dimension_semantics = [#tpu.dimension_semantics<arbitrary>], iteration_bounds = array<i64: 13>, scalar_prefetch = 0 : i64, scratch_operands = 0 : i64, tpu.core_type = #tpu.core_type<tc>, window_params = [{transform_indices = @transform_0, window_bounds = array<i64: 1024, 1024>}, {transform_indices = @transform_1, window_bounds = array<i64: 1024, 64>}, {pipeline_mode = #tpu.pipeline_mode<synchronous>, transform_indices = @transform_2, window_bounds = array<i64: 1024, 64>}, {transform_indices = @transform_3, window_bounds = array<i64: 1, 1>}]} {
    %iota3A = tpu.iota {dimensions = array<i32: 0>} : vector<1024x1024xi32>
    %iota3A_0 = tpu.iota {dimensions = array<i32: 1>} : vector<1024x1024xi32>
    %mul3A = arith.constant 1048576 : i32
    %mul3A_1 = arith.muli %arg0, %mul3A : i32
    %add3A = arith.constant 42 : i32
    %add3A_2 = arith.addi %mul3A_1, %add3A : i32
    %shift_left3A = arith.constant 10 : i32
    %shift_left3A_3 = vector.broadcast %shift_left3A : i32 to vector<1024x1024xi32>
    %shift_left3A_4 = arith.shli %iota3A, %shift_left3A_3 : vector<1024x1024xi32>
    %add3A_5 = arith.addi %shift_left3A_4, %iota3A_0 : vector<1024x1024xi32>
    %add3A_6 = vector.broadcast %add3A_2 : i32 to vector<1024x1024xi32>
    %add3A_7 = arith.addi %add3A_5, %add3A_6 : vector<1024x1024xi32>
    %shift_left3A_8 = arith.constant 13 : i32
    %shift_left3A_9 = vector.broadcast %shift_left3A_8 : i32 to vector<1024x1024xi32>
    %shift_left3A_10 = arith.shli %add3A_7, %shift_left3A_9 : vector<1024x1024xi32>
    %shift_right_logical3A = arith.constant 19 : i32
    %shift_right_logical3A_11 = vector.broadcast %shift_right_logical3A : i32 to vector<1024x1024xi32>
    %shift_right_logical3A_12 = arith.shrui %add3A_7, %shift_right_logical3A_11 : vector<1024x1024xi32>
    %or3A = arith.ori %shift_left3A_10, %shift_right_logical3A_12 : vector<1024x1024xi32>
    %xor3A = arith.xori %or3A, %add3A_7 : vector<1024x1024xi32>
    %add3A_13 = arith.addi %add3A_7, %xor3A : vector<1024x1024xi32>
    %shift_left3A_14 = arith.constant 15 : i32
    %shift_left3A_15 = vector.broadcast %shift_left3A_14 : i32 to vector<1024x1024xi32>
    %shift_left3A_16 = arith.shli %xor3A, %shift_left3A_15 : vector<1024x1024xi32>
    %shift_right_logical3A_17 = arith.constant 17 : i32
    %shift_right_logical3A_18 = vector.broadcast %shift_right_logical3A_17 : i32 to vector<1024x1024xi32>
    %shift_right_logical3A_19 = arith.shrui %xor3A, %shift_right_logical3A_18 : vector<1024x1024xi32>
    %or3A_20 = arith.ori %shift_left3A_16, %shift_right_logical3A_19 : vector<1024x1024xi32>
    %xor3A_21 = arith.xori %or3A_20, %add3A_13 : vector<1024x1024xi32>
    %add3A_22 = arith.addi %add3A_13, %xor3A_21 : vector<1024x1024xi32>
    %shift_left3A_23 = arith.constant 26 : i32
    %shift_left3A_24 = vector.broadcast %shift_left3A_23 : i32 to vector<1024x1024xi32>
    %shift_left3A_25 = arith.shli %xor3A_21, %shift_left3A_24 : vector<1024x1024xi32>
    %shift_right_logical3A_26 = arith.constant 6 : i32
    %shift_right_logical3A_27 = vector.broadcast %shift_right_logical3A_26 : i32 to vector<1024x1024xi32>
    %shift_right_logical3A_28 = arith.shrui %xor3A_21, %shift_right_logical3A_27 : vector<1024x1024xi32>
    %or3A_29 = arith.ori %shift_left3A_25, %shift_right_logical3A_28 : vector<1024x1024xi32>
    %xor3A_30 = arith.xori %or3A_29, %add3A_22 : vector<1024x1024xi32>
    %add3A_31 = arith.addi %add3A_22, %xor3A_30 : vector<1024x1024xi32>
    %shift_left3A_32 = arith.constant 6 : i32
    %shift_left3A_33 = vector.broadcast %shift_left3A_32 : i32 to vector<1024x1024xi32>
    %shift_left3A_34 = arith.shli %xor3A_30, %shift_left3A_33 : vector<1024x1024xi32>
    %shift_right_logical3A_35 = arith.constant 26 : i32
    %shift_right_logical3A_36 = vector.broadcast %shift_right_logical3A_35 : i32 to vector<1024x1024xi32>
    %shift_right_logical3A_37 = arith.shrui %xor3A_30, %shift_right_logical3A_36 : vector<1024x1024xi32>
    %or3A_38 = arith.ori %shift_left3A_34, %shift_right_logical3A_37 : vector<1024x1024xi32>
    %xor3A_39 = arith.xori %or3A_38, %add3A_31 : vector<1024x1024xi32>
    %add3A_40 = arith.constant 42 : i32
    %add3A_41 = vector.broadcast %add3A_40 : i32 to vector<1024x1024xi32>
    %add3A_42 = arith.addi %add3A_31, %add3A_41 : vector<1024x1024xi32>
    %add3A_43 = arith.constant 466689009 : i32
    %add3A_44 = vector.broadcast %add3A_43 : i32 to vector<1024x1024xi32>
    %add3A_45 = arith.addi %xor3A_39, %add3A_44 : vector<1024x1024xi32>
    %add3A_46 = arith.addi %add3A_42, %add3A_45 : vector<1024x1024xi32>
    %shift_left3A_47 = arith.constant 17 : i32
    %shift_left3A_48 = vector.broadcast %shift_left3A_47 : i32 to vector<1024x1024xi32>
    %shift_left3A_49 = arith.shli %add3A_45, %shift_left3A_48 : vector<1024x1024xi32>
    %shift_right_logical3A_50 = arith.constant 15 : i32
    %shift_right_logical3A_51 = vector.broadcast %shift_right_logical3A_50 : i32 to vector<1024x1024xi32>
    %shift_right_logical3A_52 = arith.shrui %add3A_45, %shift_right_logical3A_51 : vector<1024x1024xi32>
    %or3A_53 = arith.ori %shift_left3A_49, %shift_right_logical3A_52 : vector<1024x1024xi32>
    %xor3A_54 = arith.xori %or3A_53, %add3A_46 : vector<1024x1024xi32>
    %add3A_55 = arith.addi %add3A_46, %xor3A_54 : vector<1024x1024xi32>
    %shift_left3A_56 = arith.constant 29 : i32
    %shift_left3A_57 = vector.broadcast %shift_left3A_56 : i32 to vector<1024x1024xi32>
    %shift_left3A_58 = arith.shli %xor3A_54, %shift_left3A_57 : vector<1024x1024xi32>
    %shift_right_logical3A_59 = arith.constant 3 : i32
    %shift_right_logical3A_60 = vector.broadcast %shift_right_logical3A_59 : i32 to vector<1024x1024xi32>
    %shift_right_logical3A_61 = arith.shrui %xor3A_54, %shift_right_logical3A_60 : vector<1024x1024xi32>
    %or3A_62 = arith.ori %shift_left3A_58, %shift_right_logical3A_61 : vector<1024x1024xi32>
    %xor3A_63 = arith.xori %or3A_62, %add3A_55 : vector<1024x1024xi32>
    %add3A_64 = arith.addi %add3A_55, %xor3A_63 : vector<1024x1024xi32>
    %shift_left3A_65 = arith.constant 16 : i32
    %shift_left3A_66 = vector.broadcast %shift_left3A_65 : i32 to vector<1024x1024xi32>
    %shift_left3A_67 = arith.shli %xor3A_63, %shift_left3A_66 : vector<1024x1024xi32>
    %shift_right_logical3A_68 = arith.constant 16 : i32
    %shift_right_logical3A_69 = vector.broadcast %shift_right_logical3A_68 : i32 to vector<1024x1024xi32>
    %shift_right_logical3A_70 = arith.shrui %xor3A_63, %shift_right_logical3A_69 : vector<1024x1024xi32>
    %or3A_71 = arith.ori %shift_left3A_67, %shift_right_logical3A_70 : vector<1024x1024xi32>
    %xor3A_72 = arith.xori %or3A_71, %add3A_64 : vector<1024x1024xi32>
    %add3A_73 = arith.addi %add3A_64, %xor3A_72 : vector<1024x1024xi32>
    %shift_left3A_74 = arith.constant 24 : i32
    %shift_left3A_75 = vector.broadcast %shift_left3A_74 : i32 to vector<1024x1024xi32>
    %shift_left3A_76 = arith.shli %xor3A_72, %shift_left3A_75 : vector<1024x1024xi32>
    %shift_right_logical3A_77 = arith.constant 8 : i32
    %shift_right_logical3A_78 = vector.broadcast %shift_right_logical3A_77 : i32 to vector<1024x1024xi32>
    %shift_right_logical3A_79 = arith.shrui %xor3A_72, %shift_right_logical3A_78 : vector<1024x1024xi32>
    %or3A_80 = arith.ori %shift_left3A_76, %shift_right_logical3A_79 : vector<1024x1024xi32>
    %xor3A_81 = arith.xori %or3A_80, %add3A_73 : vector<1024x1024xi32>
    %add3A_82 = arith.constant 466689008 : i32
    %add3A_83 = vector.broadcast %add3A_82 : i32 to vector<1024x1024xi32>
    %add3A_84 = arith.addi %add3A_73, %add3A_83 : vector<1024x1024xi32>
    %add3A_85 = arith.constant 2 : i32
    %add3A_86 = vector.broadcast %add3A_85 : i32 to vector<1024x1024xi32>
    %add3A_87 = arith.addi %xor3A_81, %add3A_86 : vector<1024x1024xi32>
    %add3A_88 = arith.addi %add3A_84, %add3A_87 : vector<1024x1024xi32>
    %shift_left3A_89 = arith.constant 13 : i32
    %shift_left3A_90 = vector.broadcast %shift_left3A_89 : i32 to vector<1024x1024xi32>
    %shift_left3A_91 = arith.shli %add3A_87, %shift_left3A_90 : vector<1024x1024xi32>
    %shift_right_logical3A_92 = arith.constant 19 : i32
    %shift_right_logical3A_93 = vector.broadcast %shift_right_logical3A_92 : i32 to vector<1024x1024xi32>
    %shift_right_logical3A_94 = arith.shrui %add3A_87, %shift_right_logical3A_93 : vector<1024x1024xi32>
    %or3A_95 = arith.ori %shift_left3A_91, %shift_right_logical3A_94 : vector<1024x1024xi32>
    %xor3A_96 = arith.xori %or3A_95, %add3A_88 : vector<1024x1024xi32>
    %add3A_97 = arith.addi %add3A_88, %xor3A_96 : vector<1024x1024xi32>
    %shift_left3A_98 = arith.constant 15 : i32
    %shift_left3A_99 = vector.broadcast %shift_left3A_98 : i32 to vector<1024x1024xi32>
    %shift_left3A_100 = arith.shli %xor3A_96, %shift_left3A_99 : vector<1024x1024xi32>
    %shift_right_logical3A_101 = arith.constant 17 : i32
    %shift_right_logical3A_102 = vector.broadcast %shift_right_logical3A_101 : i32 to vector<1024x1024xi32>
    %shift_right_logical3A_103 = arith.shrui %xor3A_96, %shift_right_logical3A_102 : vector<1024x1024xi32>
    %or3A_104 = arith.ori %shift_left3A_100, %shift_right_logical3A_103 : vector<1024x1024xi32>
    %xor3A_105 = arith.xori %or3A_104, %add3A_97 : vector<1024x1024xi32>
    %add3A_106 = arith.addi %add3A_97, %xor3A_105 : vector<1024x1024xi32>
    %shift_left3A_107 = arith.constant 26 : i32
    %shift_left3A_108 = vector.broadcast %shift_left3A_107 : i32 to vector<1024x1024xi32>
    %shift_left3A_109 = arith.shli %xor3A_105, %shift_left3A_108 : vector<1024x1024xi32>
    %shift_right_logical3A_110 = arith.constant 6 : i32
    %shift_right_logical3A_111 = vector.broadcast %shift_right_logical3A_110 : i32 to vector<1024x1024xi32>
    %shift_right_logical3A_112 = arith.shrui %xor3A_105, %shift_right_logical3A_111 : vector<1024x1024xi32>
    %or3A_113 = arith.ori %shift_left3A_109, %shift_right_logical3A_112 : vector<1024x1024xi32>
    %xor3A_114 = arith.xori %or3A_113, %add3A_106 : vector<1024x1024xi32>
    %add3A_115 = arith.addi %add3A_106, %xor3A_114 : vector<1024x1024xi32>
    %shift_left3A_116 = arith.constant 6 : i32
    %shift_left3A_117 = vector.broadcast %shift_left3A_116 : i32 to vector<1024x1024xi32>
    %shift_left3A_118 = arith.shli %xor3A_114, %shift_left3A_117 : vector<1024x1024xi32>
    %shift_right_logical3A_119 = arith.constant 26 : i32
    %shift_right_logical3A_120 = vector.broadcast %shift_right_logical3A_119 : i32 to vector<1024x1024xi32>
    %shift_right_logical3A_121 = arith.shrui %xor3A_114, %shift_right_logical3A_120 : vector<1024x1024xi32>
    %or3A_122 = arith.ori %shift_left3A_118, %shift_right_logical3A_121 : vector<1024x1024xi32>
    %xor3A_123 = arith.xori %or3A_122, %add3A_115 : vector<1024x1024xi32>
    %add3A_124 = arith.constant 0 : i32
    %add3A_125 = vector.broadcast %add3A_124 : i32 to vector<1024x1024xi32>
    %add3A_126 = arith.addi %add3A_115, %add3A_125 : vector<1024x1024xi32>
    %add3A_127 = arith.constant 45 : i32
    %add3A_128 = vector.broadcast %add3A_127 : i32 to vector<1024x1024xi32>
    %add3A_129 = arith.addi %xor3A_123, %add3A_128 : vector<1024x1024xi32>
    %add3A_130 = arith.addi %add3A_126, %add3A_129 : vector<1024x1024xi32>
    %shift_left3A_131 = arith.constant 17 : i32
    %shift_left3A_132 = vector.broadcast %shift_left3A_131 : i32 to vector<1024x1024xi32>
    %shift_left3A_133 = arith.shli %add3A_129, %shift_left3A_132 : vector<1024x1024xi32>
    %shift_right_logical3A_134 = arith.constant 15 : i32
    %shift_right_logical3A_135 = vector.broadcast %shift_right_logical3A_134 : i32 to vector<1024x1024xi32>
    %shift_right_logical3A_136 = arith.shrui %add3A_129, %shift_right_logical3A_135 : vector<1024x1024xi32>
    %or3A_137 = arith.ori %shift_left3A_133, %shift_right_logical3A_136 : vector<1024x1024xi32>
    %xor3A_138 = arith.xori %or3A_137, %add3A_130 : vector<1024x1024xi32>
    %add3A_139 = arith.addi %add3A_130, %xor3A_138 : vector<1024x1024xi32>
    %shift_left3A_140 = arith.constant 29 : i32
    %shift_left3A_141 = vector.broadcast %shift_left3A_140 : i32 to vector<1024x1024xi32>
    %shift_left3A_142 = arith.shli %xor3A_138, %shift_left3A_141 : vector<1024x1024xi32>
    %shift_right_logical3A_143 = arith.constant 3 : i32
    %shift_right_logical3A_144 = vector.broadcast %shift_right_logical3A_143 : i32 to vector<1024x1024xi32>
    %shift_right_logical3A_145 = arith.shrui %xor3A_138, %shift_right_logical3A_144 : vector<1024x1024xi32>
    %or3A_146 = arith.ori %shift_left3A_142, %shift_right_logical3A_145 : vector<1024x1024xi32>
    %xor3A_147 = arith.xori %or3A_146, %add3A_139 : vector<1024x1024xi32>
    %add3A_148 = arith.addi %add3A_139, %xor3A_147 : vector<1024x1024xi32>
    %shift_left3A_149 = arith.constant 16 : i32
    %shift_left3A_150 = vector.broadcast %shift_left3A_149 : i32 to vector<1024x1024xi32>
    %shift_left3A_151 = arith.shli %xor3A_147, %shift_left3A_150 : vector<1024x1024xi32>
    %shift_right_logical3A_152 = arith.constant 16 : i32
    %shift_right_logical3A_153 = vector.broadcast %shift_right_logical3A_152 : i32 to vector<1024x1024xi32>
    %shift_right_logical3A_154 = arith.shrui %xor3A_147, %shift_right_logical3A_153 : vector<1024x1024xi32>
    %or3A_155 = arith.ori %shift_left3A_151, %shift_right_logical3A_154 : vector<1024x1024xi32>
    %xor3A_156 = arith.xori %or3A_155, %add3A_148 : vector<1024x1024xi32>
    %add3A_157 = arith.addi %add3A_148, %xor3A_156 : vector<1024x1024xi32>
    %shift_left3A_158 = arith.constant 24 : i32
    %shift_left3A_159 = vector.broadcast %shift_left3A_158 : i32 to vector<1024x1024xi32>
    %shift_left3A_160 = arith.shli %xor3A_156, %shift_left3A_159 : vector<1024x1024xi32>
    %shift_right_logical3A_161 = arith.constant 8 : i32
    %shift_right_logical3A_162 = vector.broadcast %shift_right_logical3A_161 : i32 to vector<1024x1024xi32>
    %shift_right_logical3A_163 = arith.shrui %xor3A_156, %shift_right_logical3A_162 : vector<1024x1024xi32>
    %or3A_164 = arith.ori %shift_left3A_160, %shift_right_logical3A_163 : vector<1024x1024xi32>
    %xor3A_165 = arith.xori %or3A_164, %add3A_157 : vector<1024x1024xi32>
    %add3A_166 = arith.constant 42 : i32
    %add3A_167 = vector.broadcast %add3A_166 : i32 to vector<1024x1024xi32>
    %add3A_168 = arith.addi %add3A_157, %add3A_167 : vector<1024x1024xi32>
    %add3A_169 = arith.constant 466689012 : i32
    %add3A_170 = vector.broadcast %add3A_169 : i32 to vector<1024x1024xi32>
    %add3A_171 = arith.addi %xor3A_165, %add3A_170 : vector<1024x1024xi32>
    %add3A_172 = arith.addi %add3A_168, %add3A_171 : vector<1024x1024xi32>
    %shift_left3A_173 = arith.constant 13 : i32
    %shift_left3A_174 = vector.broadcast %shift_left3A_173 : i32 to vector<1024x1024xi32>
    %shift_left3A_175 = arith.shli %add3A_171, %shift_left3A_174 : vector<1024x1024xi32>
    %shift_right_logical3A_176 = arith.constant 19 : i32
    %shift_right_logical3A_177 = vector.broadcast %shift_right_logical3A_176 : i32 to vector<1024x1024xi32>
    %shift_right_logical3A_178 = arith.shrui %add3A_171, %shift_right_logical3A_177 : vector<1024x1024xi32>
    %or3A_179 = arith.ori %shift_left3A_175, %shift_right_logical3A_178 : vector<1024x1024xi32>
    %xor3A_180 = arith.xori %or3A_179, %add3A_172 : vector<1024x1024xi32>
    %add3A_181 = arith.addi %add3A_172, %xor3A_180 : vector<1024x1024xi32>
    %shift_left3A_182 = arith.constant 15 : i32
    %shift_left3A_183 = vector.broadcast %shift_left3A_182 : i32 to vector<1024x1024xi32>
    %shift_left3A_184 = arith.shli %xor3A_180, %shift_left3A_183 : vector<1024x1024xi32>
    %shift_right_logical3A_185 = arith.constant 17 : i32
    %shift_right_logical3A_186 = vector.broadcast %shift_right_logical3A_185 : i32 to vector<1024x1024xi32>
    %shift_right_logical3A_187 = arith.shrui %xor3A_180, %shift_right_logical3A_186 : vector<1024x1024xi32>
    %or3A_188 = arith.ori %shift_left3A_184, %shift_right_logical3A_187 : vector<1024x1024xi32>
    %xor3A_189 = arith.xori %or3A_188, %add3A_181 : vector<1024x1024xi32>
    %add3A_190 = arith.addi %add3A_181, %xor3A_189 : vector<1024x1024xi32>
    %shift_left3A_191 = arith.constant 26 : i32
    %shift_left3A_192 = vector.broadcast %shift_left3A_191 : i32 to vector<1024x1024xi32>
    %shift_left3A_193 = arith.shli %xor3A_189, %shift_left3A_192 : vector<1024x1024xi32>
    %shift_right_logical3A_194 = arith.constant 6 : i32
    %shift_right_logical3A_195 = vector.broadcast %shift_right_logical3A_194 : i32 to vector<1024x1024xi32>
    %shift_right_logical3A_196 = arith.shrui %xor3A_189, %shift_right_logical3A_195 : vector<1024x1024xi32>
    %or3A_197 = arith.ori %shift_left3A_193, %shift_right_logical3A_196 : vector<1024x1024xi32>
    %xor3A_198 = arith.xori %or3A_197, %add3A_190 : vector<1024x1024xi32>
    %add3A_199 = arith.addi %add3A_190, %xor3A_198 : vector<1024x1024xi32>
    %shift_left3A_200 = arith.constant 6 : i32
    %shift_left3A_201 = vector.broadcast %shift_left3A_200 : i32 to vector<1024x1024xi32>
    %shift_left3A_202 = arith.shli %xor3A_198, %shift_left3A_201 : vector<1024x1024xi32>
    %shift_right_logical3A_203 = arith.constant 26 : i32
    %shift_right_logical3A_204 = vector.broadcast %shift_right_logical3A_203 : i32 to vector<1024x1024xi32>
    %shift_right_logical3A_205 = arith.shrui %xor3A_198, %shift_right_logical3A_204 : vector<1024x1024xi32>
    %or3A_206 = arith.ori %shift_left3A_202, %shift_right_logical3A_205 : vector<1024x1024xi32>
    %xor3A_207 = arith.xori %or3A_206, %add3A_199 : vector<1024x1024xi32>
    %add3A_208 = arith.constant 466689008 : i32
    %add3A_209 = vector.broadcast %add3A_208 : i32 to vector<1024x1024xi32>
    %add3A_210 = arith.addi %add3A_199, %add3A_209 : vector<1024x1024xi32>
    %add3A_211 = arith.constant 5 : i32
    %add3A_212 = vector.broadcast %add3A_211 : i32 to vector<1024x1024xi32>
    %add3A_213 = arith.addi %xor3A_207, %add3A_212 : vector<1024x1024xi32>
    %xor3A_214 = arith.xori %add3A_210, %add3A_213 : vector<1024x1024xi32>
    %shift_right_logical3A_215 = arith.constant 9 : i32
    %shift_right_logical3A_216 = vector.broadcast %shift_right_logical3A_215 : i32 to vector<1024x1024xi32>
    %shift_right_logical3A_217 = arith.shrui %xor3A_214, %shift_right_logical3A_216 : vector<1024x1024xi32>
    %or3A_218 = arith.constant 1065353216 : i32
    %or3A_219 = vector.broadcast %or3A_218 : i32 to vector<1024x1024xi32>
    %or3A_220 = arith.ori %shift_right_logical3A_217, %or3A_219 : vector<1024x1024xi32>
    %bitcast_convert_type3A = tpu.bitcast %or3A_220 : vector<1024x1024xi32> -> vector<1024x1024xf32>
    %sub3A = arith.constant 1.000000e+00 : f32
    %sub3A_221 = vector.broadcast %sub3A : f32 to vector<1024x1024xf32>
    %sub3A_222 = arith.subf %bitcast_convert_type3A, %sub3A_221 : vector<1024x1024xf32>
    %add3A_223 = arith.constant 1.17549435E-38 : f32
    %add3A_224 = vector.broadcast %add3A_223 : f32 to vector<1024x1024xf32>
    %add3A_225 = arith.addf %sub3A_222, %add3A_224 : vector<1024x1024xf32>
    %log3A = math.log %add3A_225 : vector<1024x1024xf32>
    %neg3A = arith.constant 0.000000e+00 : f32
    %neg3A_226 = vector.broadcast %neg3A : f32 to vector<1024x1024xf32>
    %neg3A_227 = arith.subf %neg3A_226, %log3A : vector<1024x1024xf32>
    %log3A_228 = math.log %neg3A_227 : vector<1024x1024xf32>
    %neg3A_229 = arith.constant 0.000000e+00 : f32
    %neg3A_230 = vector.broadcast %neg3A_229 : f32 to vector<1024x1024xf32>
    %neg3A_231 = arith.subf %neg3A_230, %log3A_228 : vector<1024x1024xf32>
    %get3A = arith.constant 0 : index
    %get3A_232 = arith.constant 0 : index
    %get3A_233 = vector.load %arg1[%get3A, %get3A_232] : memref<1024x1024xf32, #tpu.memory_space<vmem>>, vector<1024x1024xf32>
    %add3A_234 = arith.addf %get3A_233, %neg3A_231 : vector<1024x1024xf32>
    %reduce_max3A = arith.constant dense<0xFF800000> : vector<1024xf32>
    %reduce_max3A_235 = vector.multi_reduction <maximumf>, %add3A_234, %reduce_max3A [1] : vector<1024x1024xf32> to vector<1024xf32>
    %broadcast_in_dim3A = vector.shape_cast %reduce_max3A_235 : vector<1024xf32> to vector<1024x1xf32>
    %eq3A = vector.broadcast %broadcast_in_dim3A : vector<1024x1xf32> to vector<1024x1024xf32>
    %eq3A_236 = arith.cmpf oeq, %add3A_234, %eq3A : vector<1024x1024xf32>
    %jit3A = arith.constant 1024 : i32
    %broadcast_in_dim3A_237 = vector.broadcast %jit3A : i32 to vector<1024x1024xi32>
    %select_n3A = arith.select %eq3A_236, %iota3A_0, %broadcast_in_dim3A_237 : vector<1024x1024xi1>, vector<1024x1024xi32>
    %reduce_min3A = arith.constant dense<2147483647> : vector<1024xi32>
    %reduce_min3A_238 = vector.multi_reduction <minsi>, %select_n3A, %reduce_min3A [1] : vector<1024x1024xi32> to vector<1024xi32>
    %broadcast_in_dim3A_239 = vector.shape_cast %reduce_min3A_238 : vector<1024xi32> to vector<1024x1xi32>
    %eq3A_240 = vector.broadcast %broadcast_in_dim3A_239 : vector<1024x1xi32> to vector<1024x1024xi32>
    %eq3A_241 = arith.cmpi eq, %iota3A_0, %eq3A_240 : vector<1024x1024xi32>
    %convert_element_type3A = arith.extui %eq3A_241 : vector<1024x1024xi1> to vector<1024x1024xi32>
    %convert_element_type3A_242 = arith.sitofp %convert_element_type3A : vector<1024x1024xi32> to vector<1024x1024xf32>
    %get3A_243 = arith.constant 0 : index
    %get3A_244 = arith.constant 0 : index
    %get3A_245 = vector.load %arg3[%get3A_243, %get3A_244] : memref<1024x64xf32, #tpu.memory_space<vmem>>, vector<1024x64xf32>
    %dot_general3A = arith.constant dense<0.000000e+00> : vector<1024x64xf32>
    %dot_general3A_246 = tpu.matmul %convert_element_type3A_242, %get3A_245, %dot_general3A {dimension_numbers = #tpu.dot_dimension_numbers<[1], [0], [0], [1], [0, 0, 1, 1], [], []>, transpose_lhs_hint = false} : vector<1024x1024xf32>, vector<1024x64xf32>, vector<1024x64xf32> -> vector<1024x64xf32>
    %get3A_247 = arith.constant 0 : index
    %get3A_248 = arith.constant 0 : index
    %get3A_249 = vector.load %arg2[%get3A_247, %get3A_248] : memref<1024x64xf32, #tpu.memory_space<vmem>>, vector<1024x64xf32>
    %sub3A_250 = arith.subf %get3A_249, %dot_general3A_246 : vector<1024x64xf32>
    %mul3A_251 = arith.mulf %sub3A_250, %sub3A_250 : vector<1024x64xf32>
    %reduce_sum3A = vector.shape_cast %mul3A_251 : vector<1024x64xf32> to vector<1x1024x64xf32>
    %reduce_sum3A_252 = arith.constant dense<0.000000e+00> : vector<1xf32>
    %reduce_sum3A_253 = vector.multi_reduction <add>, %reduce_sum3A, %reduce_sum3A_252 [1, 2] : vector<1x1024x64xf32> to vector<1xf32>
    %reduce_sum3A_254 = vector.shape_cast %reduce_sum3A_253 : vector<1xf32> to vector<1x1x1xf32>
    %reduce_sum3A_255 = vector.extract %reduce_sum3A_254[0, 0, 0] : f32 from vector<1x1x1xf32>
    %eq3A_256 = arith.constant 0 : i32
    %eq3A_257 = arith.cmpi eq, %arg0, %eq3A_256 : i32
    %convert_element_type3A_258 = arith.extui %eq3A_257 : i1 to i32
    %cond3A = arith.constant 0 : i32
    %cond3A_259 = arith.cmpi ne, %convert_element_type3A_258, %cond3A : i32
    scf.if %cond3A_259 {
      %swap3A_266 = arith.constant 0.000000e+00 : f32
      %swap3A_267 = arith.constant 0 : index
      %swap3A_268 = arith.constant 0 : index
      %swap3A_269 = memref.load %arg4[%swap3A_267, %swap3A_268] : memref<1x1xf32, #tpu.memory_space<smem>>
      memref.store %swap3A_266, %arg4[%swap3A_267, %swap3A_268] : memref<1x1xf32, #tpu.memory_space<smem>>
    } else {
    }
    %get3A_260 = arith.constant 0 : index
    %get3A_261 = arith.constant 0 : index
    %get3A_262 = memref.load %arg4[%get3A_260, %get3A_261] : memref<1x1xf32, #tpu.memory_space<smem>>
    %add3A_263 = arith.addf %get3A_262, %reduce_sum3A_255 : f32
    %swap3A = arith.constant 0 : index
    %swap3A_264 = arith.constant 0 : index
    %swap3A_265 = memref.load %arg4[%swap3A, %swap3A_264] : memref<1x1xf32, #tpu.memory_space<smem>>
    memref.store %add3A_263, %arg4[%swap3A, %swap3A_264] : memref<1x1xf32, #tpu.memory_space<smem>>
    return
  }
  func.func @transform_0(%arg0: i32) -> (i32, i32) {
    %c0_i32 = arith.constant 0 : i32
    %c0_i32_0 = arith.constant 0 : i32
    return %arg0, %c0_i32 : i32, i32
  }
  func.func @transform_1(%arg0: i32) -> (i32, i32) {
    %c0_i32 = arith.constant 0 : i32
    %c0_i32_0 = arith.constant 0 : i32
    return %arg0, %c0_i32 : i32, i32
  }
  func.func @transform_2(%arg0: i32) -> (i32, i32) {
    %c0_i32 = arith.constant 0 : i32
    %c0_i32_0 = arith.constant 0 : i32
    %c0_i32_1 = arith.constant 0 : i32
    return %c0_i32, %c0_i32_0 : i32, i32
  }
  func.func @transform_3(%arg0: i32) -> (i32, i32) {
    %c0_i32 = arith.constant 0 : i32
    %c0_i32_0 = arith.constant 0 : i32
    %c0_i32_1 = arith.constant 0 : i32
    return %c0_i32, %c0_i32_0 : i32, i32
  }
}

</mosaic_0001>

<sc_bundles>
// kernel: _run.4.cloned.1.call-start
scs
__scs_entry_jumppad:
0x0: {  	(pc) =	sbr.rel $0x88, $3  }
0x1: {  	(tag) =	ssettag $0x0;
	lr =	simm.s32 $0x1  }
0x2: {  	[smem:$0x3F9E] =	sst lr;
	_ =	strace $0xD0000000  }
0x3: {  	_ = 	snop  }
0x4: {  	_ = 	snop  }
0x5: {  	_ = 	snop  }
0x6: {  	_ = 	snop  }
0x7: {  	_ = 	snop  }
__scs_overlays_trampoline_lowered:
0x8: {  	[smem:$0x3FAD] =	sst s0  }
0x9: {  	[smem:$0x3FAE] =	sst s1  }
0xa: {  	[smem:$0x3FAF] =	sst s2  }
0xb: {  	[smem:$0x3FB0] =	sst s3  }
0xc: {  	[smem:$0x3FB1] =	sst s4  }
0xd: {  	[smem:$0x3FB2] =	sst s5  }
0xe: {  	[smem:$0x3FB3] =	sst s6  }
0xf: {  	[smem:$0x3FB4] =	sst s7  }
0x10: {  	[smem:$0x3FB5] =	sst s8  }
0x11: {  	[smem:$0x3FB6] =	sst s9;
	s0 =	simm.s32 @!p0 $0x0  }
0x12: {  	s1 =	sld [smem:$0x3F9C];
	s0 =	simm.s32 @p0 $0x1  }
0x13: {  	[smem:$0x3FB7] =	sst s0;
	s0 =	simm.s32 @!p1 $0x0  }
0x14: {  	s2 =	sld [smem:$0x3F9B];
	s0 =	simm.s32 @p1 $0x1  }
0x15: {  	[smem:$0x3FB8] =	sst s0;
	s0 =	simm.s32 @!p2 $0x0  }
0x16: {  	s3 =	sld [smem:$0x3FDB];
	s0 =	simm.s32 @p2 $0x1  }
0x17: {  	s4 =	simm.s32 $0x1BF5;
	[smem:$0x3FBA] =	sst s0  }
0x18: {  	s0 =	sld [smem:$0x3F9D];
	_ =	swait.ge [sflag:s4], $0x0  }
0x19: {  	s7 =	sld [smem:$0x3F9E]  }
0x1a: {  	s8 =	sadd.s32 $0xFFFFE003, lr  }
0x1b: {  	s9 =	sadd.s32 $0xFFFFFEF7, lr;
	s5 =	simm.s32 $0xFFFFFFFF;
	p2 =	slt.u32 s8, $0xFFFFF086  }
0x1c: {  	p1 =	slt.u32 s9, $0xF7A;
	s5 =	simm.s32 @!p2 $0x0  }
0x1d: {  	s5 =	simm.s32 @p1 $0x1;
	p0 =	seq.s32 s7, s2  }
0x1e: {  	s7 =	smul.u32 @!p0 $0xF7A, s2;
	p2 =	seq.s32 @!p0 s5, $0x0  }
0x1f: {  	s9 =	smul.u32 $0xF7A, s1;
	s8 =	simm.s32 @!p0 $0x1BF5;
	p2 =	por !p2, p0  }
0x20: {  	[sflag:s8] =	ssyncset.s32 @!p0 $0xFFFFF086;
	s6 =	sadd.s32 @!p0 s3, s7;
	s7 =	simm.s32 @!p0 $0x108  }
0x21: {  	s3 =	sadd.s32 s3, s9;
	s6 =	sadd.s32 @!p0 $0x88, s6;
	s7 =	simm.s32 @p2 $0x1082  }
0x22: {  	[simem:s7], [sflag:s8] =	dma.local @!p0 [hbm:s6], $0xF7A  }
0x23: {  	s9 =	sor.u32 $0xD0000000, s2;
	s6 =	simm.s32 $0x108;
	_ =	swait.ge @!p0 [sflag:s8], $0x0  }
0x24: {  	s3 =	sadd.s32 $0x88, s3;
	s6 =	simm.s32 @!p1 $0x1082;
	[sflag:s4] =	ssyncset.s32 $0xFFFFF086  }
0x25: {  	[simem:s6], [sflag:s4] =	dma.local [hbm:s3], $0xF7A  }
0x26: {  	[smem:$0x3F9E] =	sst s1;
	(tag) =	ssettag s2;
	_ =	strace s9  }
0x27: {  	s1 =	sld [smem:$0x3FAE]  }
0x28: {  	s2 =	sld [smem:$0x3FAF]  }
0x29: {  	s4 =	sld [smem:$0x3FB1]  }
0x2a: {  	p0 =	seq.s32 s5, $0x0;
	s5 =	sld [smem:$0x3FB2]  }
0x2b: {  	s6 =	sld [smem:$0x3FB3]  }
0x2c: {  	s7 =	sld [smem:$0x3FB4]  }
0x2d: {  	s3 =	simm.s32 $0x108;
	s8 =	sld [smem:$0x3FB5]  }
0x2e: {  	s3 =	simm.s32 @!p0 $0x1082;
	s9 =	sld [smem:$0x3FB6]  }
0x2f: {  	lr =	sadd.s32 s0, s3;
	s0 =	sld [smem:$0x3FAD]  }
0x30: {  	s3 =	sld [smem:$0x3FB0]  }
0x31: {  	[smem:$0x3FB9] =	sst s10  }
0x32: {  	s10 =	sld [smem:$0x3FB7];
	_ =	sdelay $0x3  }
0x33: {  	p0 =	seq.s32 s10, $0x1;
	s10 =	sld [smem:$0x3FB9];
	_ =	sdelay $0x3  }
0x34: {  	[smem:$0x3FB9] =	sst s10  }
0x35: {  	s10 =	sld [smem:$0x3FB8];
	_ =	sdelay $0x3  }
0x36: {  	p1 =	seq.s32 s10, $0x1;
	s10 =	sld [smem:$0x3FB9];
	_ =	sdelay $0x3  }
0x37: {  	[smem:$0x3FB9] =	sst s10  }
0x38: {  	s10 =	sld [smem:$0x3FBA]  }
0x39: {  	_ = 	snop;
	(pc) =	sbr.ind lr, $3  }
0x3a: {  	_ = 	snop  }
0x3b: {  	_ = 	snop  }
0x3c: {  	p2 =	seq.s32 s10, $0x1;
	s10 =	sld [smem:$0x3FB9]  }
0x3d: {  	_ =	shalt  }
0x3e: {  	_ =	shalt  }
0x3f: {  	_ =	shalt  }
0x40: {  	_ =	shalt  }
0x41: {  	_ =	shalt  }
0x42: {  	_ =	shalt  }
0x43: {  	_ =	shalt  }
0x44: {  	_ =	shalt  }
0x45: {  	_ =	shalt  }
0x46: {  	_ =	shalt  }
0x47: {  	_ =	shalt  }
0x48: {  	_ =	shalt  }
0x49: {  	_ =	shalt  }
0x4a: {  	_ =	shalt  }
0x4b: {  	_ =	shalt  }
0x4c: {  	_ =	shalt  }
0x4d: {  	_ =	shalt  }
0x4e: {  	_ =	shalt  }
0x4f: {  	_ =	shalt  }
0x50: {  	_ =	shalt  }
0x51: {  	_ =	shalt  }
0x52: {  	_ =	shalt  }
0x53: {  	_ =	shalt  }
0x54: {  	_ =	shalt  }
0x55: {  	_ =	shalt  }
0x56: {  	_ =	shalt  }
0x57: {  	_ =	shalt  }
0x58: {  	_ =	shalt  }
0x59: {  	_ =	shalt  }
0x5a: {  	_ =	shalt  }
0x5b: {  	_ =	shalt  }
0x5c: {  	_ =	shalt  }
0x5d: {  	_ =	shalt  }
0x5e: {  	_ =	shalt  }
0x5f: {  	_ =	shalt  }
0x60: {  	_ =	shalt  }
0x61: {  	_ =	shalt  }
0x62: {  	_ =	shalt  }
0x63: {  	_ =	shalt  }
0x64: {  	_ =	shalt  }
0x65: {  	_ =	shalt  }
0x66: {  	_ =	shalt  }
0x67: {  	_ =	shalt  }
0x68: {  	_ =	shalt  }
0x69: {  	_ =	shalt  }
0x6a: {  	_ =	shalt  }
0x6b: {  	_ =	shalt  }
0x6c: {  	_ =	shalt  }
0x6d: {  	_ =	shalt  }
0x6e: {  	_ =	shalt  }
0x6f: {  	_ =	shalt  }
0x70: {  	_ =	shalt  }
0x71: {  	_ =	shalt  }
0x72: {  	_ =	shalt  }
0x73: {  	_ =	shalt  }
0x74: {  	_ =	shalt  }
0x75: {  	_ =	shalt  }
0x76: {  	_ =	shalt  }
0x77: {  	_ =	shalt  }
0x78: {  	_ =	shalt  }
0x79: {  	_ =	shalt  }
0x7a: {  	_ =	shalt  }
0x7b: {  	_ =	shalt  }
0x7c: {  	_ =	shalt  }
0x7d: {  	_ =	shalt  }
0x7e: {  	_ =	shalt  }
0x7f: {  	_ =	shalt  }
0x80: {  	_ =	shalt  }
0x81: {  	_ =	shalt  }
0x82: {  	_ =	shalt  }
0x83: {  	_ =	shalt  }
0x84: {  	_ =	shalt  }
0x85: {  	_ =	shalt  }
0x86: {  	_ =	shalt  }
0x87: {  	_ =	shalt  }
.Lfunc_end0:
.L_simem_size_0:
called_computation_lowered:
.L_overlay_start_0:
0x88: {  	s2 =	sld [smem:$0x3FD9]  }
0x89: {  	s3 =	sld [smem:$0x3FFE];
	_ =	sdelay $0x1  }
0x8a: {  	s1 =	srdreg.scid  }
0x8b: {  	s0 =	sand.u32 $0x1, s1  }
0x8c: {  	s17 =	sshll.u32 s0, $0xA;
	s2 =	sadd.s32 s3, s2  }
0x8d: {  	s2 =	sadd.s32 s2, s17  }
0x8e: {  	[smem:$0x3FC5] =	sst s2  }
0x8f: {  	_ = 	snop  }
0x90: {  	s2 =	sld [smem:$0x3FC8];
	(tm) =	ssettm $0x1  }
0x91: {  	s18 =	sld [smem:$0x3FFB];
	_ =	sdelay $0x3  }
0x92: {  	_ =	strace s18  }
0x93: {  	s3 =	sld [smem:$0x3FFC];
	_ =	sdelay $0x3  }
0x94: {  	_ =	strace s3  }
0x95: {  	s3 =	sld [smem:$0x3FFD];
	_ =	sdelay $0x3  }
0x96: {  	_ =	strace s3  }
0x97: {  	_ =	strace $0x8FFFFFFF  }
0x98: {  	s19 =	sld [smem:$0x3FDB];
	_ =	sdelay $0x1  }
0x99: {  	s4 =	simm.s32 $_scs_section_size  }
0x9a: {  	s5 =	simm.s32 $_size__tile_overlayer_lowered;
	s6 =	simm.s32 $_tile_overlayer_lowered  }
0x9b: {  	s22 =	simm.s32 $0x1BFF;
	s21 =	sshll.u32 s6, $0x1;
	s3 =	sadd.s32 s4, s19  }
0x9c: {  	s7 =	simm.s32 $0x0;
	s20 =	sshll.u32 s5, $0x1;
	s5 =	sadd.s32 s21, s3  }
0x9d: {  	[timem:s7], [sflag:s22] =	dma.local [hbm:s5], s20  }
0x9e: {  	_ =	swait.ge [sflag:s22], s20  }
0x9f: {  	s4 =	ssub.s32 $0x0, s20;
	[sflag:s22] =	ssyncset.done $0x0  }
0xa0: {  	[sflag:s22] =	ssyncadd.s32 s4;
	_ =	sdelay $0x1  }
0xa1: {  	s23 =	simm.s32 $0x1B8B  }
0xa2: {  	_ =	swait.ge [sflag:s23], $0x1  }
0xa3: {  	[sflag:s23] =	ssyncset.done $0x0  }
0xa4: {  	s25 =	simm.s32 $0x1B8E;
	s24 =	sld [smem:$0x3FFE];
	[sflag:s23] =	ssyncadd.s32 $0xFFFFFFFF  }
0xa5: {  	s26 =	simm.s32 $execute0_lowered;
	[smem:$0x3FD2] =	sst s25  }
0xa6: {  	s5 =	sshll.u32 s26, $0x1;
	_ =	strace $0x80000046;
	[dreg:$0x1] =	wrdreg $0xFFFFFFFF  }
0xa7: {  	s28 =	simm.s32 $_size_execute0_lowered;
	s3 =	sadd.s32 s3, s5;
	[dreg:$0x0] =	wrdreg $0x0  }
0xa8: {  	s5 =	sshll.u32 s28, $0x1;
	[dreg:$0x2] =	wrdreg s3  }
0xa9: {  	[dreg:$0x3] =	wrdreg s5  }
0xaa: {  	[dreg:$0x4] =	wrdreg $0xC0  }
0xab: {  	_ =	task [dreg:s7], $0x5FFFF  }
0xac: {  	[dreg:$0x1] =	wrdreg $0xFFFFFFFF  }
0xad: {  	[dreg:$0x0] =	wrdreg $0x60  }
0xae: {  	[dreg:$0x2] =	wrdreg s2  }
0xaf: {  	[dreg:$0x3] =	wrdreg s24  }
0xb0: {  	[dreg:$0x4] =	wrdreg $0x9  }
0xb1: {  	_ =	task.clear_ibuf [dreg:s7], $0x5FFFF;
	_ =	strace $0x90000046  }
0xb2: {  	s29 =	simm.s32 $0x9;
	_ =	strace $0x80000048  }
0xb3: {  	_ =	swait.ge [sflag:s29], $0x1  }
0xb4: {  	[sflag:s29] =	ssyncadd.s32 $0xFFFFFFFF  }
0xb5: {  	_ =	strace $0x90000048  }
0xb6: {  	_ =	sfence  }
0xb7: {  	s30 =	sld [smem:$0x0];
	_ =	sdelay $0x2  }
0xb8: {  	s31 =	sshll.u32 s1, $0xD;
	s1 =	sshrl.u32 s1, $0x2  }
0xb9: {  	s3 =	sand.u32 $0x4000, s31;
	s1 =	sadd.s32 s1, s30  }
0xba: {  	s0 =	sor.u32 s3, s0;
	s1 =	sshll.u32 s1, $0x11  }
0xbb: {  	s0 =	sor.u32 s1, s0  }
0xbc: {  	s0 =	sadd.s32 $0x8F2B, s0  }
0xbd: {  	[sflag:s0] =	ssyncadd.remote.s32 $0x1  }
0xbe: {  	_ =	sfence.sel $0xFFFF  }
0xbf: {  	[dreg:$0x0] =	wrdreg $0xFFFFFFFF;
	(pc) =	sbr.abs _section_cstart, $3  }
0xc0: {  	[dreg:$0x1] =	wrdreg $0xFFFFFFFF  }
0xc1: {  	_ =	task.clear_ibuf [dreg:s7], $0x2FFFF;
	_ =	strace $0x9FFFFFFF  }
0xc2: {  	(tm) =	ssettm $0x7FFFFFFF  }
0xc3: {  	_ =	shalt  }
tec
execute0_lowered:
.L_overlay_start_1:
0x0: {  	(tag) =	ssettag $0x1  }
0x1: {  	v0 =	vimm.s32 $0x2380;
	vm0 =	vcmask $0x300  }
0x2: {  	vm14 =	vcmask $0x704;
	v0 =	vsel vm0, $0x0, v0  }
0x3: {  	vm15 =	vcmask $0xB08;
	v0 =	vsel vm14, $0x80, v0  }
0x4: {  	vm4 =	vcmask $0xF0C;
	v0 =	vsel vm15, $0x100, v0  }
0x5: {  	s1 =	rddreg [dreg:$0x0];
	vm5 =	vcmask $0x1310;
	v0 =	vsel vm4, $0x180, v0  }
0x6: {  	s6 =	rddreg [dreg:$0x1];
	vm6 =	vcmask $0x1714;
	v0 =	vsel vm5, $0x200, v0  }
0x7: {  	s0 =	rddreg [dreg:$0x2];
	vm7 =	vcmask $0x1B18;
	v0 =	vsel vm6, $0x280, v0  }
0x8: {  	s3 =	simm.s32 $0x0;
	s4 =	srdreg.scid;
	s2 =	stileid.u32;
	vm8 =	vcmask $0x1F1C;
	v0 =	vsel vm7, $0x300, v0  }
0x9: {  	vm9 =	vcmask $0x2320;
	s13 =	simm.s32 $0x14800;
	s14 =	simm.s32 $0x0;
	[smem:$0x7FF] =	sst s3;
	v0 =	vsel vm8, $0x380, v0  }
0xa: {  	vm10 =	vcmask $0x2724;
	s7 =	sand.u32 $0x1, s4;
	s5 =	sshll.u32 s2, $0x1;
	s4 =	sadd.s32 $0x2200, s6;
	v0 =	vsel vm9, $0x2000, v0  }
0xb: {  	vm11 =	vcmask $0x2B28;
	s12 =	smul.u32 $0x30000, s2;
	_ =	strace $0x80000047;
	s8 =	sor.u32 s7, s5;
	v0 =	vsel vm10, $0x2080, v0  }
0xc: {  	vm12 =	vcmask $0x2F2C;
	s5 =	sadd.s32 $0x200, s6;
	s9 =	ssub.s32 $0x2, s7;
	s31 =	smul.u32 $0x18000, s7;
	v0 =	vsel vm11, $0x2100, v0  }
0xd: {  	vm13 =	vcmask $0x3330;
	s10 =	smul.u32 $0x60, s8;
	s8 =	sshll.u32 s8, $0x4;
	s11 =	sshrl.u32 s9, $0x1;
	v0 =	vsel vm12, $0x2180, v0  }
0xe: {  	vm14 =	vcmask $0x3734;
	s8 =	sadd.s32 s8, s6;
	s9 =	ssub.s32 s9, s11;
	s11 =	simm.s32 $0x1;
	v1 =	vsel vm13, $0x2200, v0  }
0xf: {  	vm15 =	vcmask $0x3B38;
	s6 =	sadd.s32 $0x3400, s10;
	s7 =	sadd.s32 $0x42200, s8;
	s8 =	smax.u32 s9, $0x1;
	v0 =	vlaneseq.u32;
	v3 =	vsel vm14, $0x2280, v1  }
0x10: {  	v2 =	vimm.s32 $0xFFFFFF81;
	s9 =	sadd.s32 s31, s12;
	s10 =	simm.s32 $0x4800;
	s12 =	simm.s32 $0x4000;
	v1 =	vmul.u32 $0x400, v0;
	v3 =	vsel vm15, $0x2300, v3  }
.LBB2_1:
0x11: {  	[tilespmem:s10], [sflag:$0x1] =	stream.linear.gather [hbm4b:s5+s3], $0x10000, $0x38;
	[tilespmem:$0x14880] =	vst v63  }
0x12: {  	_ =	swait.ge [sflag:s11], $0x10000  }
0x13: {  	[sflag:s11] =	ssyncset.done $0x0  }
0x14: {  	v4 =	vimm.f32 $0.0e+00;
	s15 =	smov.u32 s9;
	s16 =	simm.s32 $0x0;
	[sflag:s11] =	ssyncadd.s32 $0xFFFF0000  }
.LBB2_2:
0x15: {  	s18 =	simm.s32 $0x0;
	v6 =	vimm.f32 $+Inf;
	s17 =	simm.s32 $0x3  }
0x16: {  	v5 =	vimm.s32 $0x0;
	s20 =	simm.s32 $0x1;
	s19 =	simm.s32 $0x2;
	v7 =	vmov s18;
	v8 =	vmov s17  }
0x17: {  	v10 =	vmov s20;
	v11 =	vmov s19;
	v9 =	vand.u32 $0x7C, v7  }
0x18: {  	s21 =	sadd.s32 $0x0, s15;
	v7 =	vshll.u32 v7, $0x3;
	v12 =	vand.u32 $0x7F, v8;
	v13 =	vand.u32 $0x7E, v11  }
0x19: {  	s22 =	sadd.s32 $0xD0002D, s21;
	s23 =	sadd.s32 $0xD0002B, s21;
	v8 =	vshll.u32 v8, $0x3;
	v11 =	vshll.u32 v11, $0x3;
	v14 =	vand.u32 $0x7D, v10  }
0x1a: {  	s29 =	sadd.s32 $0xD0002C, s21;
	s21 =	sadd.s32 $0xD0002A, s21;
	v10 =	vshll.u32 v10, $0x3;
	v15 =	vadd.s32 s22, v1;
	v16 =	vadd.s32 s23, v1  }
0x1b: {  	v17 =	vadd.s32 s29, v1;
	v18 =	vadd.s32 s21, v1;
	v7 =	vand.u32 $0x1C00, v7  }
0x1c: {  	v19 =	vand.u32 $0x1C00, v8;
	v11 =	vand.u32 $0x1C00, v11;
	v8 =	vand.u32 $0x1C00, v10  }
0x1d: {  	v20 =	vshrl.u32 v15, $0x13;
	v21 =	vshll.u32 v15, $0xD;
	v22 =	vshrl.u32 v16, $0x13  }
0x1e: {  	v23 =	vshrl.u32 v17, $0x13;
	v24 =	vshll.u32 v17, $0xD;
	v25 =	vshrl.u32 v18, $0x13  }
0x1f: {  	v26 =	vshll.u32 v18, $0xD;
	v27 =	vshll.u32 v16, $0xD;
	v7 =	vor.u32 v7, v9  }
0x20: {  	v8 =	vor.u32 v8, v14;
	v9 =	vor.u32 v11, v13;
	v10 =	vor.u32 v19, v12  }
0x21: {  	v11 =	vor.u32 v22, v27;
	v12 =	vor.u32 v23, v24;
	v13 =	vor.u32 v20, v21  }
0x22: {  	v14 =	vor.u32 v25, v26;
	v12 =	vxor.u32 v17, v12;
	v13 =	vxor.u32 v15, v13  }
0x23: {  	v14 =	vxor.u32 v18, v14;
	v11 =	vxor.u32 v16, v11;
	v15 =	vadd.s32 v15, v13  }
0x24: {  	v17 =	vadd.s32 v17, v12;
	v19 =	vshrl.u32 v13, $0x11;
	v13 =	vshll.u32 v13, $0xF  }
0x25: {  	v16 =	vadd.s32 v16, v11;
	v20 =	vshrl.u32 v12, $0x11;
	v12 =	vshll.u32 v12, $0xF  }
0x26: {  	v18 =	vadd.s32 v18, v14;
	v44 =	vshrl.u32 v11, $0x11;
	v11 =	vshll.u32 v11, $0xF  }
0x27: {  	v45 =	vshrl.u32 v14, $0x11;
	v14 =	vshll.u32 v14, $0xF;
	v13 =	vor.u32 v19, v13  }
0x28: {  	v14 =	vor.u32 v45, v14;
	v11 =	vor.u32 v44, v11;
	v12 =	vor.u32 v20, v12  }
0x29: {  	v11 =	vxor.u32 v16, v11;
	v12 =	vxor.u32 v17, v12;
	v13 =	vxor.u32 v15, v13  }
0x2a: {  	v14 =	vxor.u32 v18, v14;
	v15 =	vadd.s32 v15, v13;
	v19 =	vshrl.u32 v13, $0x6  }
0x2b: {  	v17 =	vadd.s32 v17, v12;
	v20 =	vshrl.u32 v12, $0x6;
	v13 =	vshll.u32 v13, $0x1A  }
0x2c: {  	v16 =	vadd.s32 v16, v11;
	v46 =	vshrl.u32 v11, $0x6;
	v12 =	vshll.u32 v12, $0x1A  }
0x2d: {  	v18 =	vadd.s32 v18, v14;
	v47 =	vshrl.u32 v14, $0x6;
	v11 =	vshll.u32 v11, $0x1A  }
0x2e: {  	v14 =	vshll.u32 v14, $0x1A;
	v12 =	vor.u32 v20, v12;
	v13 =	vor.u32 v19, v13  }
0x2f: {  	v14 =	vor.u32 v47, v14;
	v11 =	vor.u32 v46, v11;
	v13 =	vxor.u32 v15, v13  }
0x30: {  	v14 =	vxor.u32 v18, v14;
	v11 =	vxor.u32 v16, v11;
	v12 =	vxor.u32 v17, v12  }
0x31: {  	v15 =	vadd.s32 v15, v13;
	v19 =	vshrl.u32 v13, $0x1A;
	v13 =	vshll.u32 v13, $0x6  }
0x32: {  	v17 =	vadd.s32 v17, v12;
	v20 =	vshrl.u32 v12, $0x1A;
	v12 =	vshll.u32 v12, $0x6  }
0x33: {  	v16 =	vadd.s32 v16, v11;
	v48 =	vshrl.u32 v11, $0x1A;
	v11 =	vshll.u32 v11, $0x6  }
0x34: {  	v18 =	vadd.s32 v18, v14;
	v49 =	vshrl.u32 v14, $0x1A;
	v14 =	vshll.u32 v14, $0x6  }
0x35: {  	v11 =	vor.u32 v48, v11;
	v12 =	vor.u32 v20, v12;
	v13 =	vor.u32 v19, v13  }
0x36: {  	v14 =	vor.u32 v49, v14;
	v12 =	vxor.u32 v17, v12;
	v13 =	vxor.u32 v15, v13  }
0x37: {  	v14 =	vxor.u32 v18, v14;
	v11 =	vxor.u32 v16, v11;
	v13 =	vadd.s32 $0x1BD11BF1, v13  }
0x38: {  	v14 =	vadd.s32 $0x1BD11BF1, v14;
	v11 =	vadd.s32 $0x1BD11BF1, v11;
	v12 =	vadd.s32 $0x1BD11BF1, v12  }
0x39: {  	v15 =	vadd.s32 v13, v15;
	v19 =	vshrl.u32 v13, $0xF;
	v13 =	vshll.u32 v13, $0x11  }
0x3a: {  	v17 =	vadd.s32 v12, v17;
	v20 =	vshrl.u32 v12, $0xF;
	v12 =	vshll.u32 v12, $0x11  }
0x3b: {  	v16 =	vadd.s32 v11, v16;
	v50 =	vshrl.u32 v11, $0xF;
	v11 =	vshll.u32 v11, $0x11  }
0x3c: {  	v18 =	vadd.s32 v14, v18;
	v51 =	vshrl.u32 v14, $0xF;
	v14 =	vshll.u32 v14, $0x11  }
0x3d: {  	v17 =	vadd.s32 $0x2A, v17;
	v15 =	vadd.s32 $0x2A, v15;
	v13 =	vor.u32 v19, v13  }
0x3e: {  	v16 =	vadd.s32 $0x2A, v16;
	v11 =	vor.u32 v50, v11;
	v12 =	vor.u32 v20, v12  }
0x3f: {  	v18 =	vadd.s32 $0x2A, v18;
	v14 =	vor.u32 v51, v14;
	v13 =	vxor.u32 v15, v13  }
0x40: {  	v14 =	vxor.u32 v18, v14;
	v11 =	vxor.u32 v16, v11;
	v12 =	vxor.u32 v17, v12  }
0x41: {  	v15 =	vadd.s32 v15, v13;
	v19 =	vshrl.u32 v13, $0x3;
	v13 =	vshll.u32 v13, $0x1D  }
0x42: {  	v17 =	vadd.s32 v17, v12;
	v20 =	vshrl.u32 v12, $0x3;
	v12 =	vshll.u32 v12, $0x1D  }
0x43: {  	v16 =	vadd.s32 v16, v11;
	v52 =	vshrl.u32 v11, $0x3;
	v11 =	vshll.u32 v11, $0x1D  }
0x44: {  	v18 =	vadd.s32 v18, v14;
	v53 =	vshrl.u32 v14, $0x3;
	v14 =	vshll.u32 v14, $0x1D  }
0x45: {  	v11 =	vor.u32 v52, v11;
	v12 =	vor.u32 v20, v12;
	v13 =	vor.u32 v19, v13  }
0x46: {  	v14 =	vor.u32 v53, v14;
	v12 =	vxor.u32 v17, v12;
	v13 =	vxor.u32 v15, v13  }
0x47: {  	v14 =	vxor.u32 v18, v14;
	v11 =	vxor.u32 v16, v11;
	v15 =	vadd.s32 v15, v13  }
0x48: {  	v17 =	vadd.s32 v17, v12;
	v19 =	vshrl.u32 v13, $0x10;
	v13 =	vshll.u32 v13, $0x10  }
0x49: {  	v16 =	vadd.s32 v16, v11;
	v20 =	vshrl.u32 v12, $0x10;
	v12 =	vshll.u32 v12, $0x10  }
0x4a: {  	v18 =	vadd.s32 v18, v14;
	v54 =	vshrl.u32 v11, $0x10;
	v11 =	vshll.u32 v11, $0x10  }
0x4b: {  	v55 =	vshrl.u32 v14, $0x10;
	v14 =	vshll.u32 v14, $0x10;
	v13 =	vor.u32 v19, v13  }
0x4c: {  	v14 =	vor.u32 v55, v14;
	v11 =	vor.u32 v54, v11;
	v12 =	vor.u32 v20, v12  }
0x4d: {  	v11 =	vxor.u32 v16, v11;
	v12 =	vxor.u32 v17, v12;
	v13 =	vxor.u32 v15, v13  }
0x4e: {  	v14 =	vxor.u32 v18, v14;
	v15 =	vadd.s32 v15, v13;
	v19 =	vshrl.u32 v13, $0x8  }
0x4f: {  	v17 =	vadd.s32 v17, v12;
	v20 =	vshrl.u32 v12, $0x8;
	v13 =	vshll.u32 v13, $0x18  }
0x50: {  	v16 =	vadd.s32 v16, v11;
	v56 =	vshrl.u32 v11, $0x8;
	v12 =	vshll.u32 v12, $0x18  }
0x51: {  	v18 =	vadd.s32 v18, v14;
	v57 =	vshrl.u32 v14, $0x8;
	v11 =	vshll.u32 v11, $0x18  }
0x52: {  	v14 =	vshll.u32 v14, $0x18;
	v12 =	vor.u32 v20, v12;
	v13 =	vor.u32 v19, v13  }
0x53: {  	v14 =	vor.u32 v57, v14;
	v11 =	vor.u32 v56, v11;
	v13 =	vxor.u32 v15, v13  }
0x54: {  	v14 =	vxor.u32 v18, v14;
	v11 =	vxor.u32 v16, v11;
	v12 =	vxor.u32 v17, v12  }
0x55: {  	v11 =	vadd.s32 $0x2, v11;
	v12 =	vadd.s32 $0x2, v12;
	v13 =	vadd.s32 $0x2, v13  }
0x56: {  	v14 =	vadd.s32 $0x2, v14;
	v15 =	vadd.s32 v13, v15;
	v19 =	vshrl.u32 v13, $0x13  }
0x57: {  	v17 =	vadd.s32 v12, v17;
	v20 =	vshrl.u32 v12, $0x13;
	v13 =	vshll.u32 v13, $0xD  }
0x58: {  	v16 =	vadd.s32 v11, v16;
	v58 =	vshrl.u32 v11, $0x13;
	v12 =	vshll.u32 v12, $0xD  }
0x59: {  	v18 =	vadd.s32 v14, v18;
	v59 =	vshrl.u32 v14, $0x13;
	v11 =	vshll.u32 v11, $0xD  }
0x5a: {  	v14 =	vshll.u32 v14, $0xD;
	v15 =	vadd.s32 $0x1BD11BF0, v15;
	v13 =	vor.u32 v19, v13  }
0x5b: {  	v16 =	vadd.s32 $0x1BD11BF0, v16;
	v17 =	vadd.s32 $0x1BD11BF0, v17;
	v12 =	vor.u32 v20, v12  }
0x5c: {  	v18 =	vadd.s32 $0x1BD11BF0, v18;
	v14 =	vor.u32 v59, v14;
	v11 =	vor.u32 v58, v11  }
0x5d: {  	v11 =	vxor.u32 v16, v11;
	v12 =	vxor.u32 v17, v12;
	v13 =	vxor.u32 v15, v13  }
0x5e: {  	v14 =	vxor.u32 v18, v14;
	v15 =	vadd.s32 v15, v13;
	v19 =	vshrl.u32 v13, $0x11  }
0x5f: {  	v17 =	vadd.s32 v17, v12;
	v20 =	vshrl.u32 v12, $0x11;
	v13 =	vshll.u32 v13, $0xF  }
0x60: {  	s30 =	sshll.u32 s16, $0x4;
	v16 =	vadd.s32 v16, v11;
	v60 =	vshrl.u32 v11, $0x11;
	v12 =	vshll.u32 v12, $0xF  }
0x61: {  	s21 =	sadd.s32 s30, s6;
	v18 =	vadd.s32 v18, v14;
	v61 =	vshrl.u32 v14, $0x11;
	v11 =	vshll.u32 v11, $0xF  }
0x62: {  	s31 =	sshll.u32 s21, $0x7;
	v14 =	vshll.u32 v14, $0xF;
	v12 =	vor.u32 v20, v12;
	v13 =	vor.u32 v19, v13  }
0x63: {  	s22 =	sadd.s32 s1, s31;
	v14 =	vor.u32 v61, v14;
	v11 =	vor.u32 v60, v11;
	v13 =	vxor.u32 v15, v13  }
0x64: {  	[tilespmem:s18], [sflag:$0x1] =	stream.linear.gather [hbm4b:s22+s18], $0x4000, $0x38;
	v19 =	vxor.u32 v18, v14;
	v11 =	vxor.u32 v16, v11;
	v14 =	vxor.u32 v17, v12;
	[tilespmem:$0x14880] =	vst v63  }
0x65: {  	_ =	swait.ge [sflag:s11], $0x4000;
	v20 =	vadd.s32 v15, v13;
	v15 =	vshrl.u32 v13, $0x6;
	v62 =	vshll.u32 v13, $0x1A  }
0x66: {  	s21 =	sshll.u32 s21, $0x4;
	[sflag:s11] =	ssyncset.done $0x0;
	v12 =	vadd.s32 v17, v14;
	v17 =	vshrl.u32 v14, $0x6;
	v63 =	vshll.u32 v14, $0x1A  }
0x67: {  	s21 =	sadd.s32 s4, s21;
	[sflag:s11] =	ssyncadd.s32 $0xFFFFC000;
	v13 =	vadd.s32 v16, v11;
	v16 =	vshrl.u32 v11, $0x6;
	v11 =	vshll.u32 v11, $0x1A  }
0x68: {  	[tilespmem:s12], [sflag:$0x1] =	stream.linear.gather [hbm4b:s21+s18], $0x800, $0x38;
	v14 =	vadd.s32 v18, v19;
	v18 =	vshrl.u32 v19, $0x6;
	v19 =	vshll.u32 v19, $0x1A;
	[tilespmem:$0x14880] =	vst v63  }
0x69: {  	_ =	swait.ge [sflag:s11], $0x800;
	v11 =	vor.u32 v16, v11;
	v16 =	vor.u32 v17, v63;
	v15 =	vor.u32 v15, v62  }
0x6a: {  	[sflag:s11] =	ssyncset.done $0x0;
	v17 =	vor.u32 v18, v19;
	v16 =	vxor.u32 v12, v16;
	v18 =	vxor.u32 v20, v15  }
0x6b: {  	s21 =	simm.s32 $0x4;
	[sflag:s11] =	ssyncadd.s32 $0xFFFFF800;
	v15 =	vxor.u32 v14, v17;
	v17 =	vxor.u32 v13, v11;
	v11 =	vadd.s32 v20, v18  }
.LBB2_3:
0x6c: {  	p0 =	slt.u32 s21, $0x3FC;
	v12 =	vadd.s32 v12, v16;
	v19 =	vshrl.u32 v18, $0x1A;
	v18 =	vshll.u32 v18, $0x6  }
0x6d: {  	v13 =	vadd.s32 v13, v17;
	v20 =	vshrl.u32 v16, $0x1A;
	v16 =	vshll.u32 v16, $0x6  }
0x6e: {  	v14 =	vadd.s32 v14, v15;
	v21 =	vshrl.u32 v17, $0x1A;
	v17 =	vshll.u32 v17, $0x6  }
0x6f: {  	v22 =	vshrl.u32 v15, $0x1A;
	v15 =	vshll.u32 v15, $0x6;
	v18 =	vor.u32 v19, v18  }
0x70: {  	v15 =	vor.u32 v22, v15;
	v17 =	vor.u32 v21, v17;
	v16 =	vor.u32 v20, v16  }
0x71: {  	v17 =	vxor.u32 v13, v17;
	v16 =	vxor.u32 v12, v16;
	v18 =	vxor.u32 v11, v18  }
0x72: {  	v15 =	vxor.u32 v14, v15;
	v16 =	vadd.s32 $0x2D, v16;
	v18 =	vadd.s32 $0x2D, v18  }
0x73: {  	v15 =	vadd.s32 $0x2D, v15;
	v17 =	vadd.s32 $0x2D, v17;
	v11 =	vadd.s32 v11, v18  }
0x74: {  	v12 =	vadd.s32 v12, v16;
	v19 =	vshrl.u32 v18, $0xF;
	v18 =	vshll.u32 v18, $0x11  }
0x75: {  	v13 =	vadd.s32 v13, v17;
	v20 =	vshrl.u32 v16, $0xF;
	v16 =	vshll.u32 v16, $0x11  }
0x76: {  	v14 =	vadd.s32 v14, v15;
	v21 =	vshrl.u32 v17, $0xF;
	v17 =	vshll.u32 v17, $0x11  }
0x77: {  	v22 =	vshrl.u32 v15, $0xF;
	v15 =	vshll.u32 v15, $0x11;
	v18 =	vor.u32 v19, v18  }
0x78: {  	v15 =	vor.u32 v22, v15;
	v17 =	vor.u32 v21, v17;
	v16 =	vor.u32 v20, v16  }
0x79: {  	v17 =	vxor.u32 v13, v17;
	v16 =	vxor.u32 v12, v16;
	v18 =	vxor.u32 v11, v18  }
0x7a: {  	v15 =	vxor.u32 v14, v15;
	v11 =	vadd.s32 v11, v18;
	v19 =	vshrl.u32 v18, $0x3  }
0x7b: {  	v12 =	vadd.s32 v12, v16;
	v20 =	vshrl.u32 v16, $0x3;
	v18 =	vshll.u32 v18, $0x1D  }
0x7c: {  	v13 =	vadd.s32 v13, v17;
	v21 =	vshrl.u32 v17, $0x3;
	v16 =	vshll.u32 v16, $0x1D  }
0x7d: {  	v14 =	vadd.s32 v14, v15;
	v22 =	vshrl.u32 v15, $0x3;
	v17 =	vshll.u32 v17, $0x1D  }
0x7e: {  	v15 =	vshll.u32 v15, $0x1D;
	v16 =	vor.u32 v20, v16;
	v18 =	vor.u32 v19, v18  }
0x7f: {  	v15 =	vor.u32 v22, v15;
	v17 =	vor.u32 v21, v17;
	v18 =	vxor.u32 v11, v18  }
0x80: {  	v15 =	vxor.u32 v14, v15;
	v17 =	vxor.u32 v13, v17;
	v16 =	vxor.u32 v12, v16  }
0x81: {  	v11 =	vadd.s32 v11, v18;
	v19 =	vshrl.u32 v18, $0x10;
	v18 =	vshll.u32 v18, $0x10  }
0x82: {  	v12 =	vadd.s32 v12, v16;
	v20 =	vshrl.u32 v16, $0x10;
	v16 =	vshll.u32 v16, $0x10  }
0x83: {  	v13 =	vadd.s32 v13, v17;
	v21 =	vshrl.u32 v17, $0x10;
	v17 =	vshll.u32 v17, $0x10  }
0x84: {  	v14 =	vadd.s32 v14, v15;
	v22 =	vshrl.u32 v15, $0x10;
	v15 =	vshll.u32 v15, $0x10  }
0x85: {  	v17 =	vor.u32 v21, v17;
	v16 =	vor.u32 v20, v16;
	v18 =	vor.u32 v19, v18  }
0x86: {  	v15 =	vor.u32 v22, v15;
	v16 =	vxor.u32 v12, v16;
	v18 =	vxor.u32 v11, v18  }
0x87: {  	v15 =	vxor.u32 v14, v15;
	v17 =	vxor.u32 v13, v17;
	v11 =	vadd.s32 v11, v18  }
0x88: {  	v12 =	vadd.s32 v12, v16;
	v19 =	vshrl.u32 v18, $0x8;
	v18 =	vshll.u32 v18, $0x18  }
0x89: {  	v13 =	vadd.s32 v13, v17;
	v20 =	vshrl.u32 v16, $0x8;
	v16 =	vshll.u32 v16, $0x18  }
0x8a: {  	v14 =	vadd.s32 v14, v15;
	v21 =	vshrl.u32 v17, $0x8;
	v17 =	vshll.u32 v17, $0x18  }
0x8b: {  	v22 =	vshrl.u32 v15, $0x8;
	v15 =	vshll.u32 v15, $0x18;
	v18 =	vor.u32 v19, v18  }
0x8c: {  	v15 =	vor.u32 v22, v15;
	v17 =	vor.u32 v21, v17;
	v16 =	vor.u32 v20, v16  }
0x8d: {  	v17 =	vxor.u32 v13, v17;
	v16 =	vxor.u32 v12, v16;
	v18 =	vxor.u32 v11, v18  }
0x8e: {  	v15 =	vxor.u32 v14, v15;
	v16 =	vadd.s32 $0x1BD11BF4, v16;
	v18 =	vadd.s32 $0x1BD11BF4, v18  }
0x8f: {  	v15 =	vadd.s32 $0x1BD11BF4, v15;
	v17 =	vadd.s32 $0x1BD11BF4, v17;
	v11 =	vadd.s32 v18, v11  }
0x90: {  	v12 =	vadd.s32 v16, v12;
	v19 =	vshrl.u32 v18, $0x13;
	v18 =	vshll.u32 v18, $0xD  }
0x91: {  	v13 =	vadd.s32 v17, v13;
	v20 =	vshrl.u32 v16, $0x13;
	v16 =	vshll.u32 v16, $0xD  }
0x92: {  	v14 =	vadd.s32 v15, v14;
	v21 =	vshrl.u32 v17, $0x13;
	v17 =	vshll.u32 v17, $0xD  }
0x93: {  	v22 =	vshrl.u32 v15, $0x13;
	v15 =	vshll.u32 v15, $0xD;
	v11 =	vadd.s32 $0x2A, v11  }
0x94: {  	v12 =	vadd.s32 $0x2A, v12;
	v16 =	vor.u32 v20, v16;
	v18 =	vor.u32 v19, v18  }
0x95: {  	v14 =	vadd.s32 $0x2A, v14;
	v13 =	vadd.s32 $0x2A, v13;
	v17 =	vor.u32 v21, v17  }
0x96: {  	v15 =	vor.u32 v22, v15;
	v16 =	vxor.u32 v12, v16;
	v18 =	vxor.u32 v11, v18  }
0x97: {  	v15 =	vxor.u32 v14, v15;
	v17 =	vxor.u32 v13, v17;
	v11 =	vadd.s32 v11, v18  }
0x98: {  	v12 =	vadd.s32 v12, v16;
	v19 =	vshrl.u32 v18, $0x11;
	v18 =	vshll.u32 v18, $0xF  }
0x99: {  	v13 =	vadd.s32 v13, v17;
	v20 =	vshrl.u32 v16, $0x11;
	v16 =	vshll.u32 v16, $0xF  }
0x9a: {  	v14 =	vadd.s32 v14, v15;
	v21 =	vshrl.u32 v17, $0x11;
	v17 =	vshll.u32 v17, $0xF  }
0x9b: {  	v22 =	vshrl.u32 v15, $0x11;
	v15 =	vshll.u32 v15, $0xF;
	v18 =	vor.u32 v19, v18  }
0x9c: {  	v15 =	vor.u32 v22, v15;
	v17 =	vor.u32 v21, v17;
	v16 =	vor.u32 v20, v16  }
0x9d: {  	v17 =	vxor.u32 v13, v17;
	v16 =	vxor.u32 v12, v16;
	v18 =	vxor.u32 v11, v18  }
0x9e: {  	v15 =	vxor.u32 v14, v15;
	v11 =	vadd.s32 v11, v18;
	v19 =	vshrl.u32 v18, $0x6  }
0x9f: {  	v12 =	vadd.s32 v12, v16;
	v20 =	vshrl.u32 v16, $0x6;
	v18 =	vshll.u32 v18, $0x1A  }
0xa0: {  	v13 =	vadd.s32 v13, v17;
	v21 =	vshrl.u32 v17, $0x6;
	v16 =	vshll.u32 v16, $0x1A  }
0xa1: {  	v14 =	vadd.s32 v14, v15;
	v22 =	vshrl.u32 v15, $0x6;
	v17 =	vshll.u32 v17, $0x1A  }
0xa2: {  	v15 =	vshll.u32 v15, $0x1A;
	v16 =	vor.u32 v20, v16;
	v18 =	vor.u32 v19, v18  }
0xa3: {  	v15 =	vor.u32 v22, v15;
	v17 =	vor.u32 v21, v17;
	v18 =	vxor.u32 v11, v18  }
0xa4: {  	v15 =	vxor.u32 v14, v15;
	v17 =	vxor.u32 v13, v17;
	v16 =	vxor.u32 v12, v16  }
0xa5: {  	v11 =	vadd.s32 v11, v18;
	v19 =	vshrl.u32 v18, $0x1A;
	v18 =	vshll.u32 v18, $0x6  }
0xa6: {  	v12 =	vadd.s32 v12, v16;
	v20 =	vshrl.u32 v16, $0x1A;
	v16 =	vshll.u32 v16, $0x6  }
0xa7: {  	v13 =	vadd.s32 v13, v17;
	v21 =	vshrl.u32 v17, $0x1A;
	v17 =	vshll.u32 v17, $0x6  }
0xa8: {  	v14 =	vadd.s32 v14, v15;
	v22 =	vshrl.u32 v15, $0x1A;
	v15 =	vshll.u32 v15, $0x6  }
0xa9: {  	v23 =	vadd.s32 $0x1BD11BF0, v12;
	v18 =	vor.u32 v19, v18;
	v19 =	vadd.s32 $0x1BD11BF0, v11  }
0xaa: {  	v24 =	vadd.s32 $0x1BD11BF0, v14;
	v25 =	vadd.s32 $0x1BD11BF0, v13;
	v16 =	vor.u32 v20, v16  }
0xab: {  	v15 =	vor.u32 v22, v15;
	v17 =	vor.u32 v21, v17;
	v11 =	vxor.u32 v11, v18  }
0xac: {  	v14 =	vxor.u32 v14, v15;
	v13 =	vxor.u32 v13, v17;
	v12 =	vxor.u32 v12, v16  }
0xad: {  	v13 =	vadd.s32 $0x5, v13;
	v12 =	vadd.s32 $0x5, v12;
	v11 =	vadd.s32 $0x5, v11  }
0xae: {  	v14 =	vadd.s32 $0x5, v14;
	v12 =	vxor.u32 v23, v12;
	v11 =	vxor.u32 v19, v11  }
0xaf: {  	v14 =	vxor.u32 v24, v14;
	v13 =	vxor.u32 v25, v13;
	v11 =	vshrl.u32 v11, $0x9  }
0xb0: {  	v14 =	vshrl.u32 v14, $0x9;
	v13 =	vshrl.u32 v13, $0x9;
	v12 =	vshrl.u32 v12, $0x9  }
0xb1: {  	v14 =	vor.u32 $0x3F800000, v14;
	v12 =	vor.u32 $0x3F800000, v12;
	v11 =	vor.u32 $0x3F800000, v11  }
0xb2: {  	v13 =	vor.u32 $0x3F800000, v13;
	v14 =	vadd.f32 $-1.000000000e+00, v14;
	v11 =	vadd.f32 $-1.000000000e+00, v11  }
0xb3: {  	v7 =	vor.u32 v3, v7;
	v13 =	vadd.f32 $-1.000000000e+00, v13;
	v12 =	vadd.f32 $-1.000000000e+00, v12  }
0xb4: {  	v10 =	vor.u32 v3, v10;
	v15 =	vadd.f32 $1.175494350e-38, v14;
	v16 =	vadd.f32 $1.175494350e-38, v11  }
0xb5: {  	v9 =	vor.u32 v3, v9;
	v17 =	vadd.f32 $1.175494350e-38, v13;
	v18 =	vadd.f32 $1.175494350e-38, v12  }
0xb6: {  	v8 =	vor.u32 v3, v8;
	v11 =	vand.u32 $0x7FFFFF, v15;
	v12 =	vand.u32 $0x7FFFFF, v16  }
0xb7: {  	v14 =	vand.u32 $0x7FFFFF, v17;
	v19 =	vand.u32 $0x7FFFFF, v18;
	v13 =	vor.u32 $0x3F800000, v11  }
0xb8: {  	v11 =	vor.u32 $0x3F000000, v11;
	v20 =	vor.u32 $0x3F800000, v12;
	vm0 =	vgt.u32 v13, $0x3FB504F2  }
0xb9: {  	v21 =	vor.u32 $0x3F800000, v19;
	v13 =	vsel vm0, v11, v13;
	v11 =	vor.u32 $0x3F800000, v14  }
0xba: {  	v14 =	vor.u32 $0x3F000000, v14;
	v22 =	vadd.f32 $1.000000000e+00, v13;
	vm1 =	vgt.u32 v11, $0x3FB504F2  }
0xbb: {  	vm2 =	vgt.u32 v21, $0x3FB504F2;
	v14 =	vsel vm1, v14, v11;
	v23 =	vld.idx.msk [tilespmem:v7+s3+$0x0], $0xffff;
	v7 =	vor.u32 $0x3F000000, v19  }
0xbc: {  	v11 =	vadd.f32 $1.000000000e+00, v14;
	v19 =	vsel vm2, v7, v21;
	v21 =	vld.idx.msk [tilespmem:v10+s3+$0x0], $0xffff;
	(erf) = vrcp.f32 v22  }
0xbd: {  	vm3 =	vgt.u32 v20, $0x3FB504F2;
	v7 =	vadd.f32 $1.000000000e+00, v19;
	v22 =	vld.idx.msk [tilespmem:v9+s3+$0x0], $0xffff;
	v9 =	vor.u32 $0x3F000000, v12  }
0xbe: {  	s22 =	sadd.s32 $0x3, s21;
	v10 =	vmov s21;
	v20 =	vsel vm3, v9, v20;
	(erf) = vrcp.f32 v11  }
0xbf: {  	s24 =	sadd.s32 $0x1, s21;
	s23 =	sadd.s32 $0x2, s21;
	v11 =	vmov s22;
	v24 =	vld.idx.msk [tilespmem:v8+s3+$0x0], $0xffff;
	v8 =	vadd.f32 $1.000000000e+00, v20;
	(erf) = vrcp.f32 v7  }
0xc0: {  	v26 =	vmov s23;
	v25 =	vmov s24;
	v7 =	vand.u32 $0x7C, v10  }
0xc1: {  	v27 =	vshll.u32 v10, $0x3;
	v10 =	vand.u32 $0x7F, v11;
	(erf) = vrcp.f32 v8  }
0xc2: {  	v9 =	vand.u32 $0x7E, v26;
	v12 =	vshll.u32 v11, $0x3;
	v23 =	vsub.f32 $0.0e+00, v23  }
0xc3: {  	v11 =	vshll.u32 v26, $0x3;
	v21 =	vsub.f32 $0.0e+00, v21;
	v22 =	vsub.f32 $0.0e+00, v22  }
0xc4: {  	v13 =	vadd.f32 $-1.000000000e+00, v13;
	v8 =	vand.u32 $0x7D, v25;
	v23 =	vmul.f32 $1.442695020e+00, v23  }
0xc5: {  	v21 =	vmul.f32 $1.442695020e+00, v21;
	v28 =	vsub.f32 $0.0e+00, v24;
	v22 =	vmul.f32 $1.442695020e+00, v22;
	v26 =	vpop (erf)  }
0xc6: {  	v29 =	vadd.f32 $-1.000000000e+00, v14;
	v26 =	vmul.f32 v26, v13;
	(erf) = vpow2.f32 v23  }
0xc7: {  	v19 =	vadd.f32 $-1.000000000e+00, v19;
	v23 =	vmul.f32 $1.442695020e+00, v28;
	v24 =	vpop (erf);
	(erf) = vpow2.f32 v21  }
0xc8: {  	v13 =	vshll.u32 v25, $0x3;
	v21 =	vmul.f32 v26, v26;
	v24 =	vmul.f32 v24, v29;
	v14 =	vpop (erf)  }
0xc9: {  	v20 =	vadd.f32 $-1.000000000e+00, v20;
	v19 =	vmul.f32 v14, v19;
	(erf) = vpow2.f32 v22  }
0xca: {  	v14 =	vand.u32 $0x1C00, v27;
	v22 =	vmul.f32 $2.222222240e-01, v21;
	v25 =	vmul.f32 v24, v24;
	v27 =	vpop (erf)  }
0xcb: {  	v16 =	vshra.s32 v16, $0x17;
	v20 =	vmul.f32 v27, v20;
	(erf) = vpow2.f32 v23  }
0xcc: {  	v27 =	vmul.f32 v19, v19;
	v22 =	vadd.f32 $2.857142980e-01, v22;
	v23 =	vmul.f32 $2.222222240e-01, v25  }
0xcd: {  	v17 =	vshra.s32 v17, $0x17;
	v18 =	vshra.s32 v18, $0x17;
	v28 =	vmul.f32 v20, v20  }
0xce: {  	v29 =	vmul.f32 $2.222222240e-01, v27;
	v22 =	vmul.f32 v22, v21;
	v23 =	vadd.f32 $2.857142980e-01, v23  }
0xcf: {  	v15 =	vshra.s32 v15, $0x17;
	v30 =	vsel vm3, $0xFFFFFF82, v2;
	v31 =	vmul.f32 $2.222222240e-01, v28;
	v32 =	vpop (erf)  }
0xd0: {  	v29 =	vadd.f32 $2.857142980e-01, v29;
	v22 =	vadd.f32 $4.000000060e-01, v22;
	v23 =	vmul.f32 v23, v25;
	v33 =	vpop (erf)  }
0xd1: {  	v35 =	vsel vm2, $0xFFFFFF82, v2;
	v34 =	vsel vm1, $0xFFFFFF82, v2;
	v31 =	vadd.f32 $2.857142980e-01, v31  }
0xd2: {  	v29 =	vmul.f32 v29, v27;
	v22 =	vmul.f32 v22, v21;
	v23 =	vadd.f32 $4.000000060e-01, v23;
	v36 =	vpop (erf)  }
0xd3: {  	v37 =	vsel vm0, $0xFFFFFF82, v2;
	v18 =	vadd.s32 v18, v35;
	v31 =	vmul.f32 v31, v28  }
0xd4: {  	v29 =	vadd.f32 $4.000000060e-01, v29;
	v22 =	vadd.f32 $6.666666860e-01, v22;
	v23 =	vmul.f32 v23, v25;
	v35 =	vpop (erf)  }
0xd5: {  	v15 =	vadd.s32 v15, v37;
	v18 =	vcvt.s32.f32 v18;
	v31 =	vadd.f32 $4.000000060e-01, v31  }
0xd6: {  	v21 =	vmul.f32 v22, v21;
	v22 =	vadd.f32 $6.666666860e-01, v23;
	v23 =	vmul.f32 v29, v27  }
0xd7: {  	v15 =	vcvt.s32.f32 v15;
	v17 =	vadd.s32 v17, v34;
	v29 =	vmul.f32 v31, v28  }
0xd8: {  	v21 =	vadd.f32 $2.000000000e+00, v21;
	v22 =	vmul.f32 v22, v25;
	v23 =	vadd.f32 $6.666666860e-01, v23  }
0xd9: {  	v15 =	vmul.f32 $6.931471820e-01, v15;
	v17 =	vcvt.s32.f32 v17;
	v25 =	vadd.f32 $6.666666860e-01, v29  }
0xda: {  	v21 =	vmul.f32 v21, v26;
	v22 =	vadd.f32 $2.000000000e+00, v22;
	v23 =	vmul.f32 v23, v27  }
0xdb: {  	v16 =	vadd.s32 v16, v30;
	v17 =	vmul.f32 $6.931471820e-01, v17;
	v25 =	vmul.f32 v25, v28  }
0xdc: {  	v15 =	vadd.f32 v21, v15;
	v21 =	vmul.f32 v22, v24;
	v22 =	vadd.f32 $2.000000000e+00, v23  }
0xdd: {  	s25 =	sadd.s32 s21, s15;
	v16 =	vcvt.s32.f32 v16;
	v18 =	vmul.f32 $6.931471820e-01, v18;
	v23 =	vadd.f32 $2.000000000e+00, v25  }
0xde: {  	s26 =	sadd.s32 $0xD0002D, s25;
	v15 =	vsub.f32 $0.0e+00, v15;
	v17 =	vadd.f32 v21, v17;
	v19 =	vmul.f32 v22, v19  }
0xdf: {  	v16 =	vmul.f32 $6.931471820e-01, v16;
	v21 =	vadd.s32 s26, v1;
	v20 =	vmul.f32 v23, v20  }
0xe0: {  	s28 =	sadd.s32 $0xD0002C, s25;
	s26 =	sadd.s32 $0xD0002B, s25;
	v15 =	vmul.f32 v32, v15;
	v17 =	vsub.f32 $0.0e+00, v17;
	v18 =	vadd.f32 v19, v18  }
0xe1: {  	v22 =	vadd.s32 s28, v1;
	v19 =	vadd.s32 s26, v1;
	v16 =	vadd.f32 v20, v16  }
0xe2: {  	s25 =	sadd.s32 $0xD0002A, s25;
	vm0 =	vlt.f32 v15, v6;
	v17 =	vmul.f32 v35, v17;
	v18 =	vsub.f32 $0.0e+00, v18  }
0xe3: {  	v20 =	vadd.s32 s25, v1;
	v6 =	vsel vm0, v15, v6;
	v5 =	vsel vm0, s18, v5;
	s18 =	smov.u32 s21  }
0xe4: {  	v16 =	vsub.f32 $0.0e+00, v16;
	vm0 =	vlt.f32 v17, v6;
	v15 =	vmul.f32 v36, v18  }
0xe5: {  	v12 =	vand.u32 $0x1C00, v12;
	v6 =	vsel vm0, v17, v6;
	v5 =	vsel vm0, s20, v5;
	s20 =	smov.u32 s24  }
0xe6: {  	v11 =	vand.u32 $0x1C00, v11;
	v16 =	vmul.f32 v33, v16;
	vm0 =	vlt.f32 v15, v6  }
0xe7: {  	v13 =	vand.u32 $0x1C00, v13;
	v6 =	vsel vm0, v15, v6;
	v5 =	vsel vm0, s19, v5;
	s19 =	smov.u32 s23  }
0xe8: {  	v7 =	vor.u32 v14, v7;
	v14 =	vshrl.u32 v21, $0x13;
	vm0 =	vlt.f32 v16, v6  }
0xe9: {  	v15 =	vshll.u32 v21, $0xD;
	v6 =	vsel vm0, v16, v6;
	v5 =	vsel vm0, s17, v5;
	s17 =	smov.u32 s22  }
0xea: {  	v18 =	vshll.u32 v22, $0xD;
	v17 =	vshrl.u32 v22, $0x13;
	v16 =	vshrl.u32 v19, $0x13  }
0xeb: {  	v25 =	vshll.u32 v19, $0xD;
	v23 =	vshrl.u32 v20, $0x13;
	v24 =	vshll.u32 v20, $0xD  }
0xec: {  	v9 =	vor.u32 v11, v9;
	v10 =	vor.u32 v12, v10;
	v8 =	vor.u32 v13, v8  }
0xed: {  	v12 =	vor.u32 v17, v18;
	v13 =	vor.u32 v14, v15;
	v11 =	vor.u32 v16, v25  }
0xee: {  	v12 =	vxor.u32 v22, v12;
	v14 =	vor.u32 v23, v24;
	v13 =	vxor.u32 v21, v13  }
0xef: {  	v14 =	vxor.u32 v20, v14;
	v15 =	vadd.s32 v21, v13;
	v11 =	vxor.u32 v19, v11  }
0xf0: {  	v16 =	vadd.s32 v22, v12;
	v17 =	vshrl.u32 v13, $0x11;
	v13 =	vshll.u32 v13, $0xF  }
0xf1: {  	v18 =	vadd.s32 v19, v11;
	v19 =	vshrl.u32 v12, $0x11;
	v12 =	vshll.u32 v12, $0xF  }
0xf2: {  	v20 =	vadd.s32 v20, v14;
	v21 =	vshrl.u32 v11, $0x11;
	v11 =	vshll.u32 v11, $0xF  }
0xf3: {  	v22 =	vshrl.u32 v14, $0x11;
	v14 =	vshll.u32 v14, $0xF;
	v13 =	vor.u32 v17, v13  }
0xf4: {  	v14 =	vor.u32 v22, v14;
	v11 =	vor.u32 v21, v11;
	v12 =	vor.u32 v19, v12  }
0xf5: {  	v13 =	vxor.u32 v15, v13;
	v11 =	vxor.u32 v18, v11;
	v12 =	vxor.u32 v16, v12  }
0xf6: {  	v14 =	vxor.u32 v20, v14;
	v15 =	vadd.s32 v15, v13;
	v17 =	vshrl.u32 v13, $0x6  }
0xf7: {  	v13 =	vshll.u32 v13, $0x1A;
	v16 =	vadd.s32 v16, v12;
	v19 =	vshrl.u32 v12, $0x6  }
0xf8: {  	v18 =	vadd.s32 v18, v11;
	v21 =	vshrl.u32 v11, $0x6;
	v12 =	vshll.u32 v12, $0x1A  }
0xf9: {  	v20 =	vadd.s32 v20, v14;
	v22 =	vshrl.u32 v14, $0x6;
	v11 =	vshll.u32 v11, $0x1A  }
0xfa: {  	v14 =	vshll.u32 v14, $0x1A;
	v13 =	vor.u32 v17, v13;
	v12 =	vor.u32 v19, v12  }
0xfb: {  	v14 =	vor.u32 v22, v14;
	v13 =	vxor.u32 v15, v13;
	v11 =	vor.u32 v21, v11  }
0xfc: {  	v14 =	vxor.u32 v20, v14;
	v11 =	vxor.u32 v18, v11;
	v12 =	vxor.u32 v16, v12  }
0xfd: {  	v15 =	vadd.s32 v15, v13;
	v17 =	vshrl.u32 v13, $0x1A;
	v13 =	vshll.u32 v13, $0x6  }
0xfe: {  	v16 =	vadd.s32 v16, v12;
	v19 =	vshrl.u32 v12, $0x1A;
	v12 =	vshll.u32 v12, $0x6  }
0xff: {  	v18 =	vadd.s32 v18, v11;
	v21 =	vshrl.u32 v11, $0x1A;
	v11 =	vshll.u32 v11, $0x6  }
0x100: {  	v20 =	vadd.s32 v20, v14;
	v22 =	vshrl.u32 v14, $0x1A;
	v14 =	vshll.u32 v14, $0x6  }
0x101: {  	v13 =	vor.u32 v17, v13;
	v11 =	vor.u32 v21, v11;
	v12 =	vor.u32 v19, v12  }
0x102: {  	v14 =	vor.u32 v22, v14;
	v13 =	vxor.u32 v15, v13;
	v12 =	vxor.u32 v16, v12  }
0x103: {  	v14 =	vxor.u32 v20, v14;
	v13 =	vadd.s32 $0x1BD11BF1, v13;
	v11 =	vxor.u32 v18, v11  }
0x104: {  	v14 =	vadd.s32 $0x1BD11BF1, v14;
	v11 =	vadd.s32 $0x1BD11BF1, v11;
	v12 =	vadd.s32 $0x1BD11BF1, v12  }
0x105: {  	v15 =	vadd.s32 v13, v15;
	v17 =	vshrl.u32 v13, $0xF;
	v13 =	vshll.u32 v13, $0x11  }
0x106: {  	v16 =	vadd.s32 v12, v16;
	v19 =	vshrl.u32 v12, $0xF;
	v12 =	vshll.u32 v12, $0x11  }
0x107: {  	v18 =	vadd.s32 v11, v18;
	v21 =	vshrl.u32 v11, $0xF;
	v11 =	vshll.u32 v11, $0x11  }
0x108: {  	v20 =	vadd.s32 v14, v20;
	v22 =	vshrl.u32 v14, $0xF;
	v14 =	vshll.u32 v14, $0x11  }
0x109: {  	v15 =	vadd.s32 $0x2A, v15;
	v13 =	vor.u32 v17, v13;
	v16 =	vadd.s32 $0x2A, v16  }
0x10a: {  	v17 =	vadd.s32 $0x2A, v18;
	v11 =	vor.u32 v21, v11;
	v12 =	vor.u32 v19, v12  }
0x10b: {  	v14 =	vor.u32 v22, v14;
	v13 =	vxor.u32 v15, v13;
	v18 =	vadd.s32 $0x2A, v20  }
0x10c: {  	v14 =	vxor.u32 v18, v14;
	v11 =	vxor.u32 v17, v11;
	v12 =	vxor.u32 v16, v12  }
0x10d: {  	v15 =	vadd.s32 v15, v13;
	v19 =	vshrl.u32 v13, $0x3;
	v13 =	vshll.u32 v13, $0x1D  }
0x10e: {  	v16 =	vadd.s32 v16, v12;
	v20 =	vshrl.u32 v12, $0x3;
	v12 =	vshll.u32 v12, $0x1D  }
0x10f: {  	v17 =	vadd.s32 v17, v11;
	v21 =	vshrl.u32 v11, $0x3;
	v11 =	vshll.u32 v11, $0x1D  }
0x110: {  	v18 =	vadd.s32 v18, v14;
	v22 =	vshrl.u32 v14, $0x3;
	v14 =	vshll.u32 v14, $0x1D  }
0x111: {  	v13 =	vor.u32 v19, v13;
	v11 =	vor.u32 v21, v11;
	v12 =	vor.u32 v20, v12  }
0x112: {  	v13 =	vxor.u32 v15, v13;
	v14 =	vor.u32 v22, v14;
	v12 =	vxor.u32 v16, v12  }
0x113: {  	v15 =	vadd.s32 v15, v13;
	v14 =	vxor.u32 v18, v14;
	v11 =	vxor.u32 v17, v11  }
0x114: {  	v19 =	vshrl.u32 v13, $0x10;
	v13 =	vshll.u32 v13, $0x10;
	v16 =	vadd.s32 v16, v12  }
0x115: {  	v17 =	vadd.s32 v17, v11;
	v20 =	vshrl.u32 v12, $0x10;
	v12 =	vshll.u32 v12, $0x10  }
0x116: {  	v18 =	vadd.s32 v18, v14;
	v21 =	vshrl.u32 v11, $0x10;
	v11 =	vshll.u32 v11, $0x10  }
0x117: {  	v13 =	vor.u32 v19, v13;
	v22 =	vshrl.u32 v14, $0x10;
	v14 =	vshll.u32 v14, $0x10  }
0x118: {  	v14 =	vor.u32 v22, v14;
	v11 =	vor.u32 v21, v11;
	v12 =	vor.u32 v20, v12  }
0x119: {  	v13 =	vxor.u32 v15, v13;
	v11 =	vxor.u32 v17, v11;
	v12 =	vxor.u32 v16, v12  }
0x11a: {  	v15 =	vadd.s32 v15, v13;
	v19 =	vshrl.u32 v13, $0x8;
	v14 =	vxor.u32 v18, v14  }
0x11b: {  	v13 =	vshll.u32 v13, $0x18;
	v16 =	vadd.s32 v16, v12;
	v20 =	vshrl.u32 v12, $0x8  }
0x11c: {  	v17 =	vadd.s32 v17, v11;
	v21 =	vshrl.u32 v11, $0x8;
	v12 =	vshll.u32 v12, $0x18  }
0x11d: {  	v18 =	vadd.s32 v18, v14;
	v22 =	vshrl.u32 v14, $0x8;
	v11 =	vshll.u32 v11, $0x18  }
0x11e: {  	v13 =	vor.u32 v19, v13;
	v14 =	vshll.u32 v14, $0x18;
	v12 =	vor.u32 v20, v12  }
0x11f: {  	v13 =	vxor.u32 v15, v13;
	v14 =	vor.u32 v22, v14;
	v11 =	vor.u32 v21, v11  }
0x120: {  	v14 =	vxor.u32 v18, v14;
	v11 =	vxor.u32 v17, v11;
	v12 =	vxor.u32 v16, v12  }
0x121: {  	v13 =	vadd.s32 $0x2, v13;
	v11 =	vadd.s32 $0x2, v11;
	v12 =	vadd.s32 $0x2, v12  }
0x122: {  	v15 =	vadd.s32 v13, v15;
	v19 =	vshrl.u32 v13, $0x13;
	v14 =	vadd.s32 $0x2, v14  }
0x123: {  	v13 =	vshll.u32 v13, $0xD;
	v16 =	vadd.s32 v12, v16;
	v20 =	vshrl.u32 v12, $0x13  }
0x124: {  	v17 =	vadd.s32 v11, v17;
	v21 =	vshrl.u32 v11, $0x13;
	v12 =	vshll.u32 v12, $0xD  }
0x125: {  	v18 =	vadd.s32 v14, v18;
	v22 =	vshrl.u32 v14, $0x13;
	v11 =	vshll.u32 v11, $0xD  }
0x126: {  	v15 =	vadd.s32 $0x1BD11BF0, v15;
	v13 =	vor.u32 v19, v13;
	v14 =	vshll.u32 v14, $0xD  }
0x127: {  	v17 =	vadd.s32 $0x1BD11BF0, v17;
	v16 =	vadd.s32 $0x1BD11BF0, v16;
	v12 =	vor.u32 v20, v12  }
0x128: {  	v18 =	vadd.s32 $0x1BD11BF0, v18;
	v14 =	vor.u32 v22, v14;
	v11 =	vor.u32 v21, v11  }
0x129: {  	v13 =	vxor.u32 v15, v13;
	v11 =	vxor.u32 v17, v11;
	v12 =	vxor.u32 v16, v12  }
0x12a: {  	v15 =	vadd.s32 v15, v13;
	v19 =	vshrl.u32 v13, $0x11;
	v14 =	vxor.u32 v18, v14  }
0x12b: {  	v13 =	vshll.u32 v13, $0xF;
	v16 =	vadd.s32 v16, v12;
	v20 =	vshrl.u32 v12, $0x11  }
0x12c: {  	v17 =	vadd.s32 v17, v11;
	v21 =	vshrl.u32 v11, $0x11;
	v12 =	vshll.u32 v12, $0xF  }
0x12d: {  	v18 =	vadd.s32 v18, v14;
	v22 =	vshrl.u32 v14, $0x11;
	v11 =	vshll.u32 v11, $0xF  }
0x12e: {  	v13 =	vor.u32 v19, v13;
	v14 =	vshll.u32 v14, $0xF;
	v12 =	vor.u32 v20, v12  }
0x12f: {  	v13 =	vxor.u32 v15, v13;
	v14 =	vor.u32 v22, v14;
	v11 =	vor.u32 v21, v11  }
0x130: {  	v19 =	vxor.u32 v18, v14;
	v11 =	vxor.u32 v17, v11;
	v14 =	vxor.u32 v16, v12  }
0x131: {  	v20 =	vadd.s32 v15, v13;
	v15 =	vshrl.u32 v13, $0x6;
	v21 =	vshll.u32 v13, $0x1A  }
0x132: {  	v12 =	vadd.s32 v16, v14;
	v16 =	vshrl.u32 v14, $0x6;
	v22 =	vshll.u32 v14, $0x1A  }
.Ltmp0:
0x133: {  	v13 =	vadd.s32 v17, v11;
	v17 =	vshrl.u32 v11, $0x6;
	v11 =	vshll.u32 v11, $0x1A;
	(pc) =	sbr.rel @p0 .LBB2_3-.Ltmp0, $4  }
0x134: {  	v14 =	vadd.s32 v18, v19;
	v18 =	vshrl.u32 v19, $0x6;
	v19 =	vshll.u32 v19, $0x1A  }
0x135: {  	v15 =	vor.u32 v15, v21;
	v11 =	vor.u32 v17, v11;
	v16 =	vor.u32 v16, v22  }
0x136: {  	v17 =	vor.u32 v18, v19;
	v18 =	vxor.u32 v20, v15;
	v16 =	vxor.u32 v12, v16  }
0x137: {  	s21 =	sadd.s32 $0x4, s21;
	v15 =	vxor.u32 v14, v17;
	v17 =	vxor.u32 v13, v11;
	v11 =	vadd.s32 v20, v18  }
0x138: {  	v12 =	vadd.s32 v12, v16;
	v19 =	vshrl.u32 v18, $0x1A  }
0x139: {  	v35 =	vshll.u32 v18, $0x6;
	v13 =	vadd.s32 v13, v17;
	v20 =	vshrl.u32 v16, $0x1A  }
0x13a: {  	v36 =	vshll.u32 v16, $0x6;
	v14 =	vadd.s32 v14, v15;
	v21 =	vshrl.u32 v17, $0x1A  }
0x13b: {  	v37 =	vshll.u32 v17, $0x6;
	v22 =	vshrl.u32 v15, $0x1A;
	v38 =	vshll.u32 v15, $0x6  }
0x13c: {  	v7 =	vor.u32 v3, v7;
	v18 =	vor.u32 v19, v35;
	v17 =	vor.u32 v21, v37  }
0x13d: {  	v15 =	vor.u32 v22, v38;
	v16 =	vor.u32 v20, v36;
	v17 =	vxor.u32 v13, v17  }
0x13e: {  	v16 =	vxor.u32 v12, v16;
	v18 =	vxor.u32 v11, v18;
	v15 =	vxor.u32 v14, v15  }
0x13f: {  	v16 =	vadd.s32 $0x2D, v16;
	v18 =	vadd.s32 $0x2D, v18;
	v15 =	vadd.s32 $0x2D, v15  }
0x140: {  	v17 =	vadd.s32 $0x2D, v17;
	v11 =	vadd.s32 v11, v18;
	v12 =	vadd.s32 v12, v16  }
0x141: {  	v39 =	vshrl.u32 v18, $0xF;
	v18 =	vshll.u32 v18, $0x11;
	v13 =	vadd.s32 v13, v17  }
0x142: {  	v40 =	vshrl.u32 v16, $0xF;
	v16 =	vshll.u32 v16, $0x11;
	v14 =	vadd.s32 v14, v15  }
0x143: {  	v41 =	vshrl.u32 v17, $0xF;
	v17 =	vshll.u32 v17, $0x11;
	v42 =	vshrl.u32 v15, $0xF  }
0x144: {  	v15 =	vshll.u32 v15, $0x11;
	v18 =	vor.u32 v39, v18;
	v17 =	vor.u32 v41, v17  }
0x145: {  	v15 =	vor.u32 v42, v15;
	v16 =	vor.u32 v40, v16;
	v17 =	vxor.u32 v13, v17  }
0x146: {  	v16 =	vxor.u32 v12, v16;
	v18 =	vxor.u32 v11, v18;
	v15 =	vxor.u32 v14, v15  }
0x147: {  	v11 =	vadd.s32 v11, v18;
	v43 =	vshrl.u32 v18, $0x3;
	v12 =	vadd.s32 v12, v16  }
0x148: {  	v44 =	vshrl.u32 v16, $0x3;
	v18 =	vshll.u32 v18, $0x1D;
	v13 =	vadd.s32 v13, v17  }
0x149: {  	v45 =	vshrl.u32 v17, $0x3;
	v16 =	vshll.u32 v16, $0x1D;
	v14 =	vadd.s32 v14, v15  }
0x14a: {  	v46 =	vshrl.u32 v15, $0x3;
	v17 =	vshll.u32 v17, $0x1D;
	v15 =	vshll.u32 v15, $0x1D  }
0x14b: {  	v16 =	vor.u32 v44, v16;
	v18 =	vor.u32 v43, v18;
	v15 =	vor.u32 v46, v15  }
0x14c: {  	v17 =	vor.u32 v45, v17;
	v18 =	vxor.u32 v11, v18;
	v15 =	vxor.u32 v14, v15  }
0x14d: {  	v17 =	vxor.u32 v13, v17;
	v16 =	vxor.u32 v12, v16;
	v11 =	vadd.s32 v11, v18  }
0x14e: {  	v47 =	vshrl.u32 v18, $0x10;
	v18 =	vshll.u32 v18, $0x10;
	v12 =	vadd.s32 v12, v16  }
0x14f: {  	v48 =	vshrl.u32 v16, $0x10;
	v16 =	vshll.u32 v16, $0x10;
	v13 =	vadd.s32 v13, v17  }
0x150: {  	v49 =	vshrl.u32 v17, $0x10;
	v17 =	vshll.u32 v17, $0x10;
	v14 =	vadd.s32 v14, v15  }
0x151: {  	v50 =	vshrl.u32 v15, $0x10;
	v15 =	vshll.u32 v15, $0x10;
	v17 =	vor.u32 v49, v17  }
0x152: {  	v16 =	vor.u32 v48, v16;
	v18 =	vor.u32 v47, v18;
	v15 =	vor.u32 v50, v15  }
0x153: {  	v16 =	vxor.u32 v12, v16;
	v18 =	vxor.u32 v11, v18;
	v15 =	vxor.u32 v14, v15  }
0x154: {  	v17 =	vxor.u32 v13, v17;
	v11 =	vadd.s32 v11, v18;
	v12 =	vadd.s32 v12, v16  }
0x155: {  	v51 =	vshrl.u32 v18, $0x8;
	v18 =	vshll.u32 v18, $0x18;
	v13 =	vadd.s32 v13, v17  }
0x156: {  	v52 =	vshrl.u32 v16, $0x8;
	v16 =	vshll.u32 v16, $0x18;
	v14 =	vadd.s32 v14, v15  }
0x157: {  	v53 =	vshrl.u32 v17, $0x8;
	v17 =	vshll.u32 v17, $0x18;
	v54 =	vshrl.u32 v15, $0x8  }
0x158: {  	v15 =	vshll.u32 v15, $0x18;
	v18 =	vor.u32 v51, v18;
	v17 =	vor.u32 v53, v17  }
0x159: {  	v15 =	vor.u32 v54, v15;
	v16 =	vor.u32 v52, v16;
	v17 =	vxor.u32 v13, v17  }
0x15a: {  	v16 =	vxor.u32 v12, v16;
	v18 =	vxor.u32 v11, v18;
	v15 =	vxor.u32 v14, v15  }
0x15b: {  	v16 =	vadd.s32 $0x1BD11BF4, v16;
	v18 =	vadd.s32 $0x1BD11BF4, v18;
	v15 =	vadd.s32 $0x1BD11BF4, v15  }
0x15c: {  	v17 =	vadd.s32 $0x1BD11BF4, v17;
	v11 =	vadd.s32 v18, v11;
	v12 =	vadd.s32 v16, v12  }
0x15d: {  	v55 =	vshrl.u32 v18, $0x13;
	v18 =	vshll.u32 v18, $0xD;
	v13 =	vadd.s32 v17, v13  }
0x15e: {  	v56 =	vshrl.u32 v16, $0x13;
	v16 =	vshll.u32 v16, $0xD;
	v14 =	vadd.s32 v15, v14  }
0x15f: {  	v57 =	vshrl.u32 v17, $0x13;
	v17 =	vshll.u32 v17, $0xD;
	v58 =	vshrl.u32 v15, $0x13  }
0x160: {  	v15 =	vshll.u32 v15, $0xD;
	v11 =	vadd.s32 $0x2A, v11;
	v12 =	vadd.s32 $0x2A, v12  }
0x161: {  	v16 =	vor.u32 v56, v16;
	v18 =	vor.u32 v55, v18;
	v14 =	vadd.s32 $0x2A, v14  }
0x162: {  	v13 =	vadd.s32 $0x2A, v13;
	v17 =	vor.u32 v57, v17;
	v15 =	vor.u32 v58, v15  }
0x163: {  	v16 =	vxor.u32 v12, v16;
	v18 =	vxor.u32 v11, v18;
	v15 =	vxor.u32 v14, v15  }
0x164: {  	v17 =	vxor.u32 v13, v17;
	v11 =	vadd.s32 v11, v18;
	v12 =	vadd.s32 v12, v16  }
0x165: {  	v59 =	vshrl.u32 v18, $0x11;
	v18 =	vshll.u32 v18, $0xF;
	v13 =	vadd.s32 v13, v17  }
0x166: {  	v60 =	vshrl.u32 v16, $0x11;
	v16 =	vshll.u32 v16, $0xF;
	v14 =	vadd.s32 v14, v15  }
0x167: {  	v61 =	vshrl.u32 v17, $0x11;
	v17 =	vshll.u32 v17, $0xF;
	v62 =	vshrl.u32 v15, $0x11  }
0x168: {  	v15 =	vshll.u32 v15, $0xF;
	v18 =	vor.u32 v59, v18;
	v17 =	vor.u32 v61, v17  }
0x169: {  	v15 =	vor.u32 v62, v15;
	v16 =	vor.u32 v60, v16;
	v17 =	vxor.u32 v13, v17  }
0x16a: {  	v16 =	vxor.u32 v12, v16;
	v18 =	vxor.u32 v11, v18;
	v15 =	vxor.u32 v14, v15  }
0x16b: {  	v11 =	vadd.s32 v11, v18;
	v63 =	vshrl.u32 v18, $0x6;
	v12 =	vadd.s32 v12, v16  }
0x16c: {  	v24 =	vshrl.u32 v16, $0x6;
	v18 =	vshll.u32 v18, $0x1A;
	v13 =	vadd.s32 v13, v17  }
0x16d: {  	v25 =	vshrl.u32 v17, $0x6;
	v16 =	vshll.u32 v16, $0x1A;
	v14 =	vadd.s32 v14, v15  }
0x16e: {  	v26 =	vshrl.u32 v15, $0x6;
	v17 =	vshll.u32 v17, $0x1A;
	v15 =	vshll.u32 v15, $0x1A  }
0x16f: {  	v16 =	vor.u32 v24, v16;
	v18 =	vor.u32 v63, v18;
	v15 =	vor.u32 v26, v15  }
0x170: {  	v17 =	vor.u32 v25, v17;
	v18 =	vxor.u32 v11, v18;
	v15 =	vxor.u32 v14, v15  }
0x171: {  	v17 =	vxor.u32 v13, v17;
	v16 =	vxor.u32 v12, v16;
	v11 =	vadd.s32 v11, v18  }
0x172: {  	v27 =	vshrl.u32 v18, $0x1A;
	v18 =	vshll.u32 v18, $0x6;
	v12 =	vadd.s32 v12, v16  }
0x173: {  	v28 =	vshrl.u32 v16, $0x1A;
	v16 =	vshll.u32 v16, $0x6;
	v13 =	vadd.s32 v13, v17  }
0x174: {  	v29 =	vshrl.u32 v17, $0x1A;
	v17 =	vshll.u32 v17, $0x6;
	v14 =	vadd.s32 v14, v15  }
0x175: {  	v30 =	vshrl.u32 v15, $0x1A;
	v15 =	vshll.u32 v15, $0x6;
	v23 =	vadd.s32 $0x1BD11BF0, v12  }
0x176: {  	v18 =	vor.u32 v27, v18;
	v31 =	vadd.s32 $0x1BD11BF0, v11;
	v24 =	vadd.s32 $0x1BD11BF0, v14  }
0x177: {  	v25 =	vadd.s32 $0x1BD11BF0, v13;
	v16 =	vor.u32 v28, v16;
	v17 =	vor.u32 v29, v17  }
0x178: {  	v15 =	vor.u32 v30, v15;
	v11 =	vxor.u32 v11, v18;
	v13 =	vxor.u32 v13, v17  }
0x179: {  	v14 =	vxor.u32 v14, v15;
	v12 =	vxor.u32 v12, v16;
	v13 =	vadd.s32 $0x5, v13  }
0x17a: {  	v12 =	vadd.s32 $0x5, v12;
	v11 =	vadd.s32 $0x5, v11;
	v14 =	vadd.s32 $0x5, v14  }
0x17b: {  	v12 =	vxor.u32 v23, v12;
	v11 =	vxor.u32 v31, v11;
	v14 =	vxor.u32 v24, v14  }
0x17c: {  	v13 =	vxor.u32 v25, v13;
	v11 =	vshrl.u32 v11, $0x9;
	v14 =	vshrl.u32 v14, $0x9  }
0x17d: {  	v13 =	vshrl.u32 v13, $0x9;
	v12 =	vshrl.u32 v12, $0x9;
	v14 =	vor.u32 $0x3F800000, v14  }
0x17e: {  	v11 =	vor.u32 $0x3F800000, v11;
	v13 =	vor.u32 $0x3F800000, v13;
	v14 =	vadd.f32 $-1.000000000e+00, v14  }
0x17f: {  	v12 =	vor.u32 $0x3F800000, v12;
	v11 =	vadd.f32 $-1.000000000e+00, v11;
	v13 =	vadd.f32 $-1.000000000e+00, v13  }
0x180: {  	v10 =	vor.u32 v3, v10;
	v12 =	vadd.f32 $-1.000000000e+00, v12;
	v14 =	vadd.f32 $1.175494350e-38, v14  }
0x181: {  	v9 =	vor.u32 v3, v9;
	v11 =	vadd.f32 $1.175494350e-38, v11;
	v13 =	vadd.f32 $1.175494350e-38, v13  }
0x182: {  	v8 =	vor.u32 v3, v8;
	v12 =	vadd.f32 $1.175494350e-38, v12;
	v32 =	vand.u32 $0x7FFFFF, v14  }
0x183: {  	v33 =	vand.u32 $0x7FFFFF, v11;
	v35 =	vand.u32 $0x7FFFFF, v13;
	v34 =	vor.u32 $0x3F800000, v32  }
0x184: {  	v36 =	vand.u32 $0x7FFFFF, v12;
	v15 =	vor.u32 $0x3F000000, v32;
	vm0 =	vgt.u32 v34, $0x3FB504F2  }
0x185: {  	v37 =	vor.u32 $0x3F800000, v33;
	v38 =	vor.u32 $0x3F800000, v35;
	v15 =	vsel vm0, v15, v34  }
0x186: {  	v39 =	vor.u32 $0x3F800000, v36;
	v18 =	vor.u32 $0x3F000000, v35;
	v40 =	vadd.f32 $1.000000000e+00, v15  }
0x187: {  	v41 =	vor.u32 $0x3F000000, v36;
	v16 =	vor.u32 $0x3F000000, v33;
	vm1 =	vgt.u32 v38, $0x3FB504F2  }
0x188: {  	vm2 =	vgt.u32 v39, $0x3FB504F2;
	v17 =	vsel vm1, v18, v38;
	(erf) = vrcp.f32 v40  }
0x189: {  	v7 =	vld.idx.msk [tilespmem:v7+s3+$0x0], $0xffff;
	vm3 =	vgt.u32 v37, $0x3FB504F2;
	v18 =	vsel vm2, v41, v39;
	v42 =	vadd.f32 $1.000000000e+00, v17  }
0x18a: {  	v9 =	vld.idx.msk [tilespmem:v9+s3+$0x0], $0xffff;
	v16 =	vsel vm3, v16, v37;
	v21 =	vadd.f32 $1.000000000e+00, v18  }
0x18b: {  	v10 =	vld.idx.msk [tilespmem:v10+s3+$0x0], $0xffff;
	v43 =	vadd.f32 $1.000000000e+00, v16;
	(erf) = vrcp.f32 v42  }
0x18c: {  	v8 =	vld.idx.msk [tilespmem:v8+s3+$0x0], $0xffff;
	(erf) = vrcp.f32 v21  }
0x18d: {  	(erf) = vrcp.f32 v43;
	_ =	sdelay $0x1  }
0x18e: {  	v7 =	vsub.f32 $0.0e+00, v7;
	v9 =	vsub.f32 $0.0e+00, v9  }
0x18f: {  	v10 =	vsub.f32 $0.0e+00, v10;
	v15 =	vadd.f32 $-1.000000000e+00, v15  }
0x190: {  	v8 =	vsub.f32 $0.0e+00, v8;
	v7 =	vmul.f32 $1.442695020e+00, v7;
	v9 =	vmul.f32 $1.442695020e+00, v9;
	v44 =	vpop (erf)  }
0x191: {  	v10 =	vmul.f32 $1.442695020e+00, v10;
	v15 =	vmul.f32 v44, v15  }
0x192: {  	v17 =	vadd.f32 $-1.000000000e+00, v17;
	(erf) = vpow2.f32 v7;
	v7 =	vmul.f32 $1.442695020e+00, v8  }
0x193: {  	v8 =	vadd.f32 $-1.000000000e+00, v18;
	v45 =	vpop (erf);
	(erf) = vpow2.f32 v10;
	v10 =	vmul.f32 v15, v15  }
0x194: {  	v16 =	vadd.f32 $-1.000000000e+00, v16;
	v17 =	vmul.f32 v45, v17;
	v46 =	vpop (erf);
	(erf) = vpow2.f32 v9  }
0x195: {  	v8 =	vmul.f32 v46, v8;
	v48 =	vpop (erf);
	v9 =	vmul.f32 $2.222222240e-01, v10  }
0x196: {  	v47 =	vmul.f32 v17, v17;
	v16 =	vmul.f32 v48, v16  }
0x197: {  	(erf) = vpow2.f32 v7;
	v49 =	vmul.f32 v8, v8;
	v7 =	vadd.f32 $2.857142980e-01, v9  }
0x198: {  	v50 =	vmul.f32 v16, v16;
	v9 =	vmul.f32 $2.222222240e-01, v47  }
0x199: {  	v11 =	vshra.s32 v11, $0x17;
	v51 =	vmul.f32 $2.222222240e-01, v49;
	v7 =	vmul.f32 v7, v10  }
0x19a: {  	v13 =	vshra.s32 v13, $0x17;
	v12 =	vshra.s32 v12, $0x17;
	v9 =	vadd.f32 $2.857142980e-01, v9  }
0x19b: {  	v53 =	vmul.f32 $2.222222240e-01, v50;
	v21 =	vadd.f32 $2.857142980e-01, v51;
	v7 =	vadd.f32 $4.000000060e-01, v7  }
0x19c: {  	v14 =	vshra.s32 v14, $0x17;
	v52 =	vsel vm3, $0xFFFFFF82, v2;
	v9 =	vmul.f32 v9, v47  }
0x19d: {  	v23 =	vadd.f32 $2.857142980e-01, v53;
	v21 =	vmul.f32 v21, v49;
	v7 =	vmul.f32 v7, v10  }
0x19e: {  	v54 =	vsel vm1, $0xFFFFFF82, v2;
	v55 =	vsel vm2, $0xFFFFFF82, v2;
	v9 =	vadd.f32 $4.000000060e-01, v9  }
0x19f: {  	v23 =	vmul.f32 v23, v50;
	v21 =	vadd.f32 $4.000000060e-01, v21;
	v7 =	vadd.f32 $6.666666860e-01, v7  }
0x1a0: {  	v26 =	vsel vm0, $0xFFFFFF82, v2;
	v12 =	vadd.s32 v12, v55;
	v9 =	vmul.f32 v9, v47  }
0x1a1: {  	v23 =	vadd.f32 $4.000000060e-01, v23;
	v7 =	vmul.f32 v7, v10;
	v10 =	vmul.f32 v21, v49  }
0x1a2: {  	v14 =	vadd.s32 v14, v26;
	v13 =	vadd.s32 v13, v54;
	v9 =	vadd.f32 $6.666666860e-01, v9  }
0x1a3: {  	v11 =	vadd.s32 v11, v52;
	v56 =	vmul.f32 v23, v50;
	v10 =	vadd.f32 $6.666666860e-01, v10  }
0x1a4: {  	v14 =	vcvt.s32.f32 v14;
	v7 =	vadd.f32 $2.000000000e+00, v7;
	v9 =	vmul.f32 v9, v47  }
0x1a5: {  	v13 =	vcvt.s32.f32 v13;
	v57 =	vadd.f32 $6.666666860e-01, v56;
	v10 =	vmul.f32 v10, v49  }
0x1a6: {  	v14 =	vmul.f32 $6.931471820e-01, v14;
	v7 =	vmul.f32 v7, v15;
	v9 =	vadd.f32 $2.000000000e+00, v9  }
0x1a7: {  	v12 =	vcvt.s32.f32 v12;
	v58 =	vmul.f32 v57, v50;
	v10 =	vadd.f32 $2.000000000e+00, v10  }
0x1a8: {  	v13 =	vmul.f32 $6.931471820e-01, v13;
	v7 =	vadd.f32 v7, v14;
	v9 =	vmul.f32 v9, v17  }
0x1a9: {  	v11 =	vcvt.s32.f32 v11;
	v12 =	vmul.f32 $6.931471820e-01, v12;
	v59 =	vadd.f32 $2.000000000e+00, v58  }
0x1aa: {  	v60 =	vpop (erf);
	v7 =	vsub.f32 $0.0e+00, v7;
	v9 =	vadd.f32 v9, v13;
	v8 =	vmul.f32 v10, v8  }
0x1ab: {  	v11 =	vmul.f32 $6.931471820e-01, v11;
	v61 =	vmul.f32 v59, v16;
	v10 =	vpop (erf)  }
0x1ac: {  	v7 =	vmul.f32 v60, v7;
	v9 =	vsub.f32 $0.0e+00, v9;
	v8 =	vadd.f32 v8, v12;
	v62 =	vpop (erf)  }
0x1ad: {  	v11 =	vadd.f32 v61, v11;
	v63 =	vpop (erf)  }
0x1ae: {  	vm12 =	vlt.f32 v7, v6;
	v8 =	vsub.f32 $0.0e+00, v8;
	v9 =	vmul.f32 v63, v9  }
0x1af: {  	v6 =	vsel vm12, v7, v6  }
0x1b0: {  	v7 =	vmul.f32 v62, v8;
	v8 =	vsub.f32 $0.0e+00, v11;
	vm13 =	vlt.f32 v9, v6  }
0x1b1: {  	v6 =	vsel vm13, v9, v6  }
0x1b2: {  	v5 =	vsel vm12, s18, v5;
	v8 =	vmul.f32 v10, v8;
	vm14 =	vlt.f32 v7, v6  }
0x1b3: {  	v9 =	vsel vm13, s20, v5;
	v5 =	vmul.u32 $0x80, v0;
	v6 =	vsel vm14, v7, v6  }
0x1b4: {  	s30 =	simm.s32 $0x0;
	v7 =	vsel vm14, s19, v9;
	vm15 =	vlt.f32 v8, v6  }
0x1b5: {  	v6 =	vsel vm15, s17, v7;
	v7 =	vor.u32 s30, v5  }
0x1b6: {  	v6 =	vshll.u32 v6, $0x6;
	_ =	sdelay $0x3  }
0x1b7: {  	s31 =	simm.s32 $0x1;
	v7 =	vld.idx.msk [tilespmem:v7+s12+$0x0], $0xffff  }
0x1b8: {  	v9 =	vor.u32 s31, v5;
	v8 =	vld.idx.msk [tilespmem:v6+s10+$0x0], $0xffff;
	v6 =	vor.u32 $0x1, v6  }
0x1b9: {  	v10 =	vadd.s32 s30, v6;
	_ =	sdelay $0x2  }
0x1ba: {  	s17 =	simm.s32 $0x2  }
0x1bb: {  	v11 =	vsub.f32 v7, v8;
	v7 =	vld.idx.msk [tilespmem:v9+s12+$0x0], $0xffff;
	v9 =	vor.u32 s17, v5  }
0x1bc: {  	v8 =	vld.idx.msk [tilespmem:v10+s10+$0x0], $0xffff;
	v10 =	vadd.s32 s31, v6  }
0x1bd: {  	s18 =	simm.s32 $0x3;
	v11 =	vmul.f32 v11, v11  }
.LBB2_5:
0x1be: {  	p0 =	sne.s32 s18, $0x3F  }
.Ltmp1:
0x1bf: {  	s19 =	smov.u32 s18;
	v4 =	vadd.f32 v11, v4;
	(pc) =	sbr.rel @p0 .LBB2_5-.Ltmp1, $4  }
0x1c0: {  	s18 =	sadd.s32 $0x1, s18;
	v11 =	vmov v7;
	v7 =	vld.idx.msk [tilespmem:v9+s12+$0x0], $0xffff  }
0x1c1: {  	v9 =	vor.u32 s19, v5;
	v11 =	vsub.f32 v11, v8;
	v8 =	vld.idx.msk [tilespmem:v10+s10+$0x0], $0xffff  }
0x1c2: {  	v10 =	vadd.s32 s17, v6;
	s17 =	smov.u32 s19  }
0x1c3: {  	v11 =	vmul.f32 v11, v11  }
0x1c4: {  	_ =	sdelay $0x3  }
0x1c5: {  	v5 =	vld.idx.msk [tilespmem:v9+s12+$0x0], $0xffff  }
0x1c6: {  	v6 =	vld.idx.msk [tilespmem:v10+s10+$0x0], $0xffff;
	_ =	sdelay $0x2  }
0x1c7: {  	s16 =	sadd.s32 $0x1, s16;
	v7 =	vsub.f32 v7, v8  }
0x1c8: {  	p0 =	sne.s32 s16, $0x6  }
.Ltmp2:
0x1c9: {  	v4 =	vadd.f32 v11, v4;
	v7 =	vmul.f32 v7, v7;
	v5 =	vsub.f32 v5, v6;
	(pc) =	sbr.rel @p0 .LBB2_2-.Ltmp2, $3  }
0x1ca: {  	_ = 	snop  }
0x1cb: {  	v4 =	vadd.f32 v7, v4;
	v5 =	vmul.f32 v5, v5;
	_ =	sdelay $0x1  }
0x1cc: {  	s15 =	sadd.s32 $0x4000, s15;
	v4 =	vadd.f32 v5, v4  }
0x1cd: {  	s14 =	sadd.s32 $0x1, s14  }
0x1ce: {  	p0 =	sne.s32 s14, s8  }
.Ltmp3:
0x1cf: {  	[tilespmem:$0x14800] =	vst v4;
	(pc) =	sbr.rel @p0 .LBB2_1-.Ltmp3, $4  }
0x1d0: {  	[hbm4b:s7+s3] =	stream.linear.scatter [tilespmem:s13], [sflag:$0x1], $0x80, $0x38;
	[tilespmem:$0x14880] =	vst v63  }
0x1d1: {  	_ =	swait.ge [sflag:s11], $0x80  }
0x1d2: {  	[sflag:s11] =	ssyncset.done $0x0  }
0x1d3: {  	[sflag:s11] =	ssyncadd.s32 $0xFFFFFF80  }
0x1d4: {  	_ =	sfence.sel $0x180000  }
0x1d5: {  	[bflag:$0x0] =	sbarrier.arrive $0xFFFF  }
0x1d6: {  	p0 =	sne.s32 s2, $0x0;
	_ =	strace $0x90000047  }
0x1d7: {  	s0 =	sadd.s32 @!p0 $0x100000, s0;
	[bflag:$0x2] =	sbarrier.arrive $0xFFFF  }
0x1d8: {  	[sflag:s0] =	ssyncadd.tile.s32 @!p0 $0x1;
	_ =	shalt  }
.Lfunc_end2:
_tile_overlayer_lowered:
.L_overlay_start_2:
0x1d9: {  	(tag) =	ssettag $0x2  }
0x1da: {  	s0 =	rddreg [dreg:$0x0];
	s2 =	stileid.u32  }
0x1db: {  	s1 =	rddreg [dreg:$0x1];
	p0 =	sne.s32 s2, $0x0  }
0x1dc: {  	s3 =	rddreg [dreg:$0x2];
	[bflag:$0x3] =	sbarrier.arrive $0xFFFF;
	s2 =	simm.s32 @!p0 $0x1C01  }
0x1dd: {  	[timem:s3], [sflag:s2] =	dma.local @!p0 [hbm:s0], s1  }
0x1de: {  	s0 =	simm.s32 @!p0 $0x1  }
0x1df: {  	_ =	swait.ge @!p0 [sflag:s0], s1  }
0x1e0: {  	s1 =	ssub.s32 @!p0 $0x0, s1;
	[sflag:s0] =	ssyncset.done @!p0 $0x0  }
0x1e1: {  	[sflag:s0] =	ssyncadd.s32 @!p0 s1  }
0x1e2: {  	[bflag:$0x3] =	sbarrier.arrive $0xFFFF  }
0x1e3: {  	_ =	shalt  }

</sc_bundles>
